<compile_context>
chip_gen: v7x
topology: tpu7x:2x2x1
jax: 0.10.2.dev20260603
libtpu: 0.0.44.dev20260713+nightly
codegen_flags: <defaults>
</compile_context>

<pallas_src>
import functools

import jax
import jax.numpy as jnp
from jax import lax
from jax.experimental import pallas as pl
from jax.experimental.pallas import tpu as pltpu
from jax.experimental.pallas import tpu_sc as plsc

_NC = 2
_NS = 16
_L = 16
_K = 128
_CHUNK_ROWS = 208


def _mesh():
  return plsc.VectorSubcoreMesh(core_axis_name="c", subcore_axis_name="s",
                                num_cores=_NC, num_subcores=_NS)


def _stripe(N):
  r_base = (N // _NS) // 8 * 8
  r_last = N - (_NS - 1) * r_base
  return r_base, r_last


def _copy_rows(srcfn, dstfn, nrows):
  off = 0
  while off < nrows:
    cs = min(_CHUNK_ROWS, nrows - off)
    pltpu.sync_copy(srcfn(off, cs), dstfn(off, cs))
    off += cs


_SB = 8


def _pad_chunks(E):
  unit = _NC * _NS * _SB
  return -(-E // (unit * _K)) * unit


def _make_sc_sums(B, N, E, D):
  assert B == _NC and E % _K == 0
  r_base, r_last = _stripe(N)
  n_chunks = E // _K
  base_chunks = n_chunks // _NS
  extra = n_chunks % _NS

  @functools.partial(
      pl.kernel,
      out_type=jax.ShapeDtypeStruct((B * N, D), jnp.float32),
      mesh=_mesh(),
      scratch_types=[
          pltpu.VMEM_SHARED((N + 8, D), jnp.float32),
          pltpu.VMEM((_K,), jnp.int32),
          pltpu.VMEM((_K,), jnp.int32),
          pltpu.VMEM((_K,), jnp.int32),
          pltpu.VMEM((_K, D), jnp.float32),
          pltpu.SemaphoreType.DMA,
      ],
  )
  def sc_sums(x_hbm, src_hbm, dst_hbm, zrow_hbm, out_sum_hbm,
              acc_sh, srcraw_v, src_v, dst_v, rows_v, gsem):
    c = lax.axis_index("c")
    s = lax.axis_index("s")
    row0 = s * r_base
    xoff = c * N

    @pl.when(s < _NS - 1)
    def _():
      _copy_rows(lambda o, n: zrow_hbm.at[pl.ds(o, n)],
                 lambda o, n: acc_sh.at[pl.ds(row0 + o, n)], r_base)

    @pl.when(s == _NS - 1)
    def _():
      _copy_rows(lambda o, n: zrow_hbm.at[pl.ds(o, n)],
                 lambda o, n: acc_sh.at[pl.ds(row0 + o, n)], r_last)

    @pl.when(s == 0)
    def _():
      pltpu.sync_copy(zrow_hbm.at[pl.ds(0, 8)], acc_sh.at[pl.ds(N, 8)])

    plsc.subcore_barrier()

    nch = base_chunks + (s < extra).astype(jnp.int32)

    @pl.loop(0, nch)
    def _edge_chunk(i):
      base = (s + _NS * i) * _K
      pltpu.sync_copy(src_hbm.at[pl.ds(base, _K)], srcraw_v)
      pltpu.sync_copy(dst_hbm.at[pl.ds(base, _K)], dst_v)
      for j in range(_K // _L):
        sl = pl.ds(j * _L, _L)
        src_v[sl] = srcraw_v[sl] + xoff
      pltpu.async_copy(x_hbm.at[src_v], rows_v, gsem).wait()
      pltpu.sync_copy(rows_v, acc_sh.at[dst_v], add=True)

    plsc.subcore_barrier()

    @pl.when(s < _NS - 1)
    def _():
      _copy_rows(lambda o, n: acc_sh.at[pl.ds(row0 + o, n)],
                 lambda o, n: out_sum_hbm.at[pl.ds(c * N + row0 + o, n)],
                 r_base)

    @pl.when(s == _NS - 1)
    def _():
      _copy_rows(lambda o, n: acc_sh.at[pl.ds(row0 + o, n)],
                 lambda o, n: out_sum_hbm.at[pl.ds(c * N + row0 + o, n)],
                 r_last)

  return sc_sums


def _make_sc_counts(N, E_pad, D):
  assert E_pad % (_NC * _NS * _K) == 0
  r_base, r_last = _stripe(N)
  cpt = (E_pad // _K) // (_NC * _NS)

  @functools.partial(
      pl.kernel,
      out_type=jax.ShapeDtypeStruct((_NC * N, D), jnp.float32),
      mesh=_mesh(),
      scratch_types=[
          pltpu.VMEM_SHARED((N + 8, D), jnp.float32),
          pltpu.VMEM((2, _K), jnp.int32),
          pltpu.VMEM((_K, D), jnp.float32),
          pltpu.SemaphoreType.DMA,
      ],
  )
  def sc_counts(dst_hbm, ones_hbm, zcnt_hbm, out_cnt_hbm,
                cnt_sh, dst2_v, ones_v, ssem):
    c = lax.axis_index("c")
    s = lax.axis_index("s")
    row0 = s * r_base
    t0 = (c * _NS + s) * cpt

    @pl.when(s < _NS - 1)
    def _():
      _copy_rows(lambda o, n: zcnt_hbm.at[pl.ds(o, n)],
                 lambda o, n: cnt_sh.at[pl.ds(row0 + o, n)], r_base)

    @pl.when(s == _NS - 1)
    def _():
      _copy_rows(lambda o, n: zcnt_hbm.at[pl.ds(o, n)],
                 lambda o, n: cnt_sh.at[pl.ds(row0 + o, n)], r_last)

    @pl.when(s == 0)
    def _():
      pltpu.sync_copy(zcnt_hbm.at[pl.ds(0, 8)], cnt_sh.at[pl.ds(N, 8)])

    pltpu.sync_copy(ones_hbm, ones_v)
    plsc.subcore_barrier()

    def scatter(par):
      return pltpu.make_async_copy(ones_v, cnt_sh.at[dst2_v.at[par]], ssem)

    zero = jnp.int32(0)
    one = jnp.int32(1)
    pltpu.sync_copy(dst_hbm.at[pl.ds(t0 * _K, _K)], dst2_v.at[zero])
    pltpu.async_copy(ones_v, cnt_sh.at[dst2_v.at[zero]], ssem, add=True)
    pltpu.sync_copy(dst_hbm.at[pl.ds((t0 + 1) * _K, _K)], dst2_v.at[one])
    pltpu.async_copy(ones_v, cnt_sh.at[dst2_v.at[one]], ssem, add=True)

    @pl.loop(2, cpt)
    def _steady(i):
      p = lax.rem(i, 2)
      scatter(p).wait()
      pltpu.sync_copy(dst_hbm.at[pl.ds((t0 + i) * _K, _K)], dst2_v.at[p])
      pltpu.async_copy(ones_v, cnt_sh.at[dst2_v.at[p]], ssem, add=True)

    scatter(jnp.int32(cpt % 2)).wait()
    scatter(jnp.int32((cpt + 1) % 2)).wait()

    plsc.subcore_barrier()

    @pl.when(s < _NS - 1)
    def _():
      _copy_rows(lambda o, n: cnt_sh.at[pl.ds(row0 + o, n)],
                 lambda o, n: out_cnt_hbm.at[pl.ds(c * N + row0 + o, n)],
                 r_base)

    @pl.when(s == _NS - 1)
    def _():
      _copy_rows(lambda o, n: cnt_sh.at[pl.ds(row0 + o, n)],
                 lambda o, n: out_cnt_hbm.at[pl.ds(c * N + row0 + o, n)],
                 r_last)

  return sc_counts


def _tc_final_body(cnt0_ref, cnt1_ref, x_ref, sum_ref, wl_ref, wr_ref, b_ref,
                   o_ref):
  cnt = cnt0_ref[:, 0:1] + cnt1_ref[:, 0:1]
  inv = 1.0 / jnp.maximum(cnt, 1.0)
  mean = sum_ref[0] * inv
  out = (jnp.dot(mean, wl_ref[...], preferred_element_type=jnp.float32)
         + jnp.dot(x_ref[0], wr_ref[...], preferred_element_type=jnp.float32)
         + b_ref[...])
  o_ref[0] = jnp.maximum(out, 0.0)


def _make_tc_final(B, N, D, blk):
  nblk = N // blk
  return pl.pallas_call(
      _tc_final_body,
      grid=(B, nblk),
      in_specs=[
          pl.BlockSpec((blk, D), lambda b, i: (i, 0)),
          pl.BlockSpec((blk, D), lambda b, i, _n=nblk: (_n + i, 0)),
          pl.BlockSpec((1, blk, D), lambda b, i: (b, i, 0)),
          pl.BlockSpec((1, blk, D), lambda b, i: (b, i, 0)),
          pl.BlockSpec((D, D), lambda b, i: (0, 0)),
          pl.BlockSpec((D, D), lambda b, i: (0, 0)),
          pl.BlockSpec((1, D), lambda b, i: (0, 0)),
      ],
      out_specs=pl.BlockSpec((1, blk, D), lambda b, i: (b, i, 0)),
      out_shape=jax.ShapeDtypeStruct((B, N, D), jnp.float32),
  )


def kernel(inputs, adj, W_l, W_r, b):
  B, N, D = inputs.shape
  E = adj.shape[1]
  _, r_last = _stripe(N)

  n_chunks = _pad_chunks(E)
  pad = n_chunks * _K - E
  src = adj[0]
  dst = adj[1]
  if pad:
    src = jnp.concatenate([src, jnp.zeros((pad,), jnp.int32)])
    dst = jnp.concatenate([dst, jnp.full((pad,), N, jnp.int32)])
  E_pad = n_chunks * _K

  x_flat = inputs.reshape(B * N, D)
  ones = jnp.ones((_K, D), jnp.float32)
  zrow = jnp.zeros((r_last, D), jnp.float32)

  summed_flat = _make_sc_sums(B, N, E, D)(x_flat, adj[0], adj[1], zrow)
  cnt_flat = _make_sc_counts(N, E_pad, D)(dst, ones, zrow)
  summed = summed_flat.reshape(B, N, D)

  tc_final = _make_tc_final(B, N, D, blk=1000)
  return tc_final(cnt_flat, cnt_flat, inputs, summed, W_l, W_r,
                  b.reshape(1, D))

# --- scband reference (transcript-rebuilt; emitter-appended) ---
"""Pipeline reference for scband-graph-sage-24953759990543 (READ-ONLY COPY).

The authoritative reference and input builder live on the scoring server;
editing this copy changes nothing except your own understanding.
"""

import jax, jax.numpy as jnp
import numpy as np

B = 2
N = 10000
E = 320000
D_IN = 128
D_OUT = 128


def setup_inputs(seed: int = 0) -> dict:
    key = jax.random.key(seed)
    k1, k2, k3, k4 = jax.random.split(key, 4)
    inputs = jax.random.normal(k1, (B, N, D_IN), dtype=jnp.float32)
    adj = jax.random.randint(k2, (2, E), 0, N, dtype=jnp.int32)
    s = 1.0 / np.sqrt(D_IN)
    W_l = jax.random.uniform(k3, (D_IN, D_OUT), dtype=jnp.float32, minval=-s, maxval=s)
    W_r = jax.random.uniform(k4, (D_IN, D_OUT), dtype=jnp.float32, minval=-s, maxval=s)
    b = jnp.zeros((D_OUT,), dtype=jnp.float32)
    return {"inputs": inputs, "adj": adj, "W_l": W_l, "W_r": W_r, "b": b}


def _sage_conv(x, edge_index, W_l, W_r, b):
    # PyG-style SAGEConv with mean aggregation:
    # out = lin_l(mean_{j in N(i)} x_j) + lin_r(x_i) + b
    src = edge_index[0]
    dst = edge_index[1]
    msgs = jnp.take(x, src, axis=0)                      # gather [E, D_IN]
    summed = jax.ops.segment_sum(msgs, dst, num_segments=N)
    counts = jax.ops.segment_sum(jnp.ones((msgs.shape[0], 1), dtype=x.dtype), dst, num_segments=N)
    mean = summed / jnp.maximum(counts, 1.0)
    out = mean @ W_l + x @ W_r + b
    return out


def reference(inputs, adj, W_l, W_r, b):
    # torch.unbind over batch dim, apply SAGEConv per slice, stack, then ReLU act
    slices = [_sage_conv(inputs[i], adj, W_l, W_r, b) for i in range(inputs.shape[0])]
    outputs = jnp.stack(slices, axis=0)
    return jax.nn.relu(outputs)

if __name__ == "__main__":
    import jax
    _d = setup_inputs()
    print(jax.jit(kernel)(*tuple(_d.values())))

</pallas_src>

<mosaic_0001>
#map = affine_map<(d0, d1) -> (0)>
#map1 = affine_map<(d0, d1) -> (0, 0)>
module attributes {stable_mosaic.version = 14 : i64} {
  func.func @sc_counts(%arg0: i32, %arg1: i32, %arg2: memref<327680xi32, #tpu.memory_space<hbm>>, %arg3: memref<128x128xf32, #tpu.memory_space<hbm>>, %arg4: memref<640x128xf32, #tpu.memory_space<hbm>>, %arg5: memref<20000x128xf32, #tpu.memory_space<hbm>>, %arg6: memref<10008x128xf32, #tpu.memory_space<vmem_shared>>, %arg7: memref<2x128xi32, #tpu.memory_space<vmem>>, %arg8: memref<128x128xf32, #tpu.memory_space<vmem>>, %arg9: memref<!tpu.dma_semaphore, #tpu.memory_space<semaphore_mem>>) attributes {dimension_semantics = [#tpu.dimension_semantics<core_parallel>, #tpu.dimension_semantics<subcore_parallel>], iteration_bounds = array<i64: 2, 16>, scalar_prefetch = 0 : i64, scratch_operands = 4 : i64, tpu.core_type = #tpu.core_type<sc_vector_subcore>, window_params = [{transform_indices = #map}, {transform_indices = #map1}, {transform_indices = #map1}, {transform_indices = #map1}]} {
    %mul3A = arith.constant 624 : i32
    %mul3A_0 = arith.muli %arg1, %mul3A : i32
    %mul3A_1 = arith.constant 16 : i32
    %mul3A_2 = arith.muli %arg0, %mul3A_1 : i32
    %add3A = arith.addi %mul3A_2, %arg1 : i32
    %mul3A_3 = arith.constant 80 : i32
    %mul3A_4 = arith.muli %add3A, %mul3A_3 : i32
    %lt3A = arith.constant 15 : i32
    %lt3A_5 = arith.cmpi slt, %arg1, %lt3A : i32
    %convert_element_type3A = arith.extui %lt3A_5 : i1 to i32
    %cond3A = arith.constant 0 : i32
    %cond3A_6 = arith.cmpi ne, %convert_element_type3A, %cond3A : i32
    scf.if %cond3A_6 {
      %add3A_64 = arith.constant 0 : i32
      %add3A_65 = arith.addi %mul3A_0, %add3A_64 : i32
      "tpu.region"() ({
        %run_scoped3A_70 = tpu.sem_alloc : memref<!tpu.dma_semaphore, #tpu.memory_space<semaphore_mem>>
        %dma_start3A_71 = arith.constant 0 : i32
        %dma_start3A_72 = tpu.memref_slice %arg6[%add3A_65, %dma_start3A_71] : memref<10008x128xf32, #tpu.memory_space<vmem_shared>> -> memref<208x128xf32, #tpu.memory_space<vmem_shared>>
        %dma_start3A_73 = arith.constant 0 : i32
        %dma_start3A_74 = arith.constant 0 : i32
        %dma_start3A_75 = tpu.memref_slice %arg4[%dma_start3A_73, %dma_start3A_74] : memref<640x128xf32, #tpu.memory_space<hbm>> -> memref<208x128xf32, #tpu.memory_space<hbm>>
        tpu.enqueue_dma source(%dma_start3A_75 : memref<208x128xf32, #tpu.memory_space<hbm>>) target(%dma_start3A_72 : memref<208x128xf32, #tpu.memory_space<vmem_shared>>) target_semaphore(%run_scoped3A_70 : memref<!tpu.dma_semaphore, #tpu.memory_space<semaphore_mem>>)
        %dma_wait3A_76 = arith.constant 0 : i32
        %dma_wait3A_77 = tpu.memref_slice %arg6[%add3A_65, %dma_wait3A_76] : memref<10008x128xf32, #tpu.memory_space<vmem_shared>> -> memref<208x128xf32, #tpu.memory_space<vmem_shared>>
        %dma_wait3A_78 = arith.constant 0 : i32
        %dma_wait3A_79 = arith.constant 0 : i32
        %dma_wait3A_80 = tpu.memref_slice %arg4[%dma_wait3A_78, %dma_wait3A_79] : memref<640x128xf32, #tpu.memory_space<hbm>> -> memref<208x128xf32, #tpu.memory_space<hbm>>
        tpu.wait_dma2 semaphore(%run_scoped3A_70 : memref<!tpu.dma_semaphore, #tpu.memory_space<semaphore_mem>>) src(%dma_wait3A_80 : memref<208x128xf32, #tpu.memory_space<hbm>>) dst(%dma_wait3A_77 : memref<208x128xf32, #tpu.memory_space<vmem_shared>>)
        tpu.yield
      }) : () -> ()
      %add3A_66 = arith.constant 208 : i32
      %add3A_67 = arith.addi %mul3A_0, %add3A_66 : i32
      "tpu.region"() ({
        %run_scoped3A_70 = tpu.sem_alloc : memref<!tpu.dma_semaphore, #tpu.memory_space<semaphore_mem>>
        %dma_start3A_71 = arith.constant 0 : i32
        %dma_start3A_72 = tpu.memref_slice %arg6[%add3A_67, %dma_start3A_71] : memref<10008x128xf32, #tpu.memory_space<vmem_shared>> -> memref<208x128xf32, #tpu.memory_space<vmem_shared>>
        %dma_start3A_73 = arith.constant 208 : i32
        %dma_start3A_74 = arith.constant 0 : i32
        %dma_start3A_75 = tpu.memref_slice %arg4[%dma_start3A_73, %dma_start3A_74] : memref<640x128xf32, #tpu.memory_space<hbm>> -> memref<208x128xf32, #tpu.memory_space<hbm>>
        tpu.enqueue_dma source(%dma_start3A_75 : memref<208x128xf32, #tpu.memory_space<hbm>>) target(%dma_start3A_72 : memref<208x128xf32, #tpu.memory_space<vmem_shared>>) target_semaphore(%run_scoped3A_70 : memref<!tpu.dma_semaphore, #tpu.memory_space<semaphore_mem>>)
        %dma_wait3A_76 = arith.constant 0 : i32
        %dma_wait3A_77 = tpu.memref_slice %arg6[%add3A_67, %dma_wait3A_76] : memref<10008x128xf32, #tpu.memory_space<vmem_shared>> -> memref<208x128xf32, #tpu.memory_space<vmem_shared>>
        %dma_wait3A_78 = arith.constant 208 : i32
        %dma_wait3A_79 = arith.constant 0 : i32
        %dma_wait3A_80 = tpu.memref_slice %arg4[%dma_wait3A_78, %dma_wait3A_79] : memref<640x128xf32, #tpu.memory_space<hbm>> -> memref<208x128xf32, #tpu.memory_space<hbm>>
        tpu.wait_dma2 semaphore(%run_scoped3A_70 : memref<!tpu.dma_semaphore, #tpu.memory_space<semaphore_mem>>) src(%dma_wait3A_80 : memref<208x128xf32, #tpu.memory_space<hbm>>) dst(%dma_wait3A_77 : memref<208x128xf32, #tpu.memory_space<vmem_shared>>)
        tpu.yield
      }) : () -> ()
      %add3A_68 = arith.constant 416 : i32
      %add3A_69 = arith.addi %mul3A_0, %add3A_68 : i32
      "tpu.region"() ({
        %run_scoped3A_70 = tpu.sem_alloc : memref<!tpu.dma_semaphore, #tpu.memory_space<semaphore_mem>>
        %dma_start3A_71 = arith.constant 0 : i32
        %dma_start3A_72 = tpu.memref_slice %arg6[%add3A_69, %dma_start3A_71] : memref<10008x128xf32, #tpu.memory_space<vmem_shared>> -> memref<208x128xf32, #tpu.memory_space<vmem_shared>>
        %dma_start3A_73 = arith.constant 416 : i32
        %dma_start3A_74 = arith.constant 0 : i32
        %dma_start3A_75 = tpu.memref_slice %arg4[%dma_start3A_73, %dma_start3A_74] : memref<640x128xf32, #tpu.memory_space<hbm>> -> memref<208x128xf32, #tpu.memory_space<hbm>>
        tpu.enqueue_dma source(%dma_start3A_75 : memref<208x128xf32, #tpu.memory_space<hbm>>) target(%dma_start3A_72 : memref<208x128xf32, #tpu.memory_space<vmem_shared>>) target_semaphore(%run_scoped3A_70 : memref<!tpu.dma_semaphore, #tpu.memory_space<semaphore_mem>>)
        %dma_wait3A_76 = arith.constant 0 : i32
        %dma_wait3A_77 = tpu.memref_slice %arg6[%add3A_69, %dma_wait3A_76] : memref<10008x128xf32, #tpu.memory_space<vmem_shared>> -> memref<208x128xf32, #tpu.memory_space<vmem_shared>>
        %dma_wait3A_78 = arith.constant 416 : i32
        %dma_wait3A_79 = arith.constant 0 : i32
        %dma_wait3A_80 = tpu.memref_slice %arg4[%dma_wait3A_78, %dma_wait3A_79] : memref<640x128xf32, #tpu.memory_space<hbm>> -> memref<208x128xf32, #tpu.memory_space<hbm>>
        tpu.wait_dma2 semaphore(%run_scoped3A_70 : memref<!tpu.dma_semaphore, #tpu.memory_space<semaphore_mem>>) src(%dma_wait3A_80 : memref<208x128xf32, #tpu.memory_space<hbm>>) dst(%dma_wait3A_77 : memref<208x128xf32, #tpu.memory_space<vmem_shared>>)
        tpu.yield
      }) : () -> ()
    } else {
    }
    %eq3A = arith.constant 15 : i32
    %eq3A_7 = arith.cmpi eq, %arg1, %eq3A : i32
    %convert_element_type3A_8 = arith.extui %eq3A_7 : i1 to i32
    %cond3A_9 = arith.constant 0 : i32
    %cond3A_10 = arith.cmpi ne, %convert_element_type3A_8, %cond3A_9 : i32
    scf.if %cond3A_10 {
      %add3A_64 = arith.constant 0 : i32
      %add3A_65 = arith.addi %mul3A_0, %add3A_64 : i32
      "tpu.region"() ({
        %run_scoped3A_72 = tpu.sem_alloc : memref<!tpu.dma_semaphore, #tpu.memory_space<semaphore_mem>>
        %dma_start3A_73 = arith.constant 0 : i32
        %dma_start3A_74 = tpu.memref_slice %arg6[%add3A_65, %dma_start3A_73] : memref<10008x128xf32, #tpu.memory_space<vmem_shared>> -> memref<208x128xf32, #tpu.memory_space<vmem_shared>>
        %dma_start3A_75 = arith.constant 0 : i32
        %dma_start3A_76 = arith.constant 0 : i32
        %dma_start3A_77 = tpu.memref_slice %arg4[%dma_start3A_75, %dma_start3A_76] : memref<640x128xf32, #tpu.memory_space<hbm>> -> memref<208x128xf32, #tpu.memory_space<hbm>>
        tpu.enqueue_dma source(%dma_start3A_77 : memref<208x128xf32, #tpu.memory_space<hbm>>) target(%dma_start3A_74 : memref<208x128xf32, #tpu.memory_space<vmem_shared>>) target_semaphore(%run_scoped3A_72 : memref<!tpu.dma_semaphore, #tpu.memory_space<semaphore_mem>>)
        %dma_wait3A_78 = arith.constant 0 : i32
        %dma_wait3A_79 = tpu.memref_slice %arg6[%add3A_65, %dma_wait3A_78] : memref<10008x128xf32, #tpu.memory_space<vmem_shared>> -> memref<208x128xf32, #tpu.memory_space<vmem_shared>>
        %dma_wait3A_80 = arith.constant 0 : i32
        %dma_wait3A_81 = arith.constant 0 : i32
        %dma_wait3A_82 = tpu.memref_slice %arg4[%dma_wait3A_80, %dma_wait3A_81] : memref<640x128xf32, #tpu.memory_space<hbm>> -> memref<208x128xf32, #tpu.memory_space<hbm>>
        tpu.wait_dma2 semaphore(%run_scoped3A_72 : memref<!tpu.dma_semaphore, #tpu.memory_space<semaphore_mem>>) src(%dma_wait3A_82 : memref<208x128xf32, #tpu.memory_space<hbm>>) dst(%dma_wait3A_79 : memref<208x128xf32, #tpu.memory_space<vmem_shared>>)
        tpu.yield
      }) : () -> ()
      %add3A_66 = arith.constant 208 : i32
      %add3A_67 = arith.addi %mul3A_0, %add3A_66 : i32
      "tpu.region"() ({
        %run_scoped3A_72 = tpu.sem_alloc : memref<!tpu.dma_semaphore, #tpu.memory_space<semaphore_mem>>
        %dma_start3A_73 = arith.constant 0 : i32
        %dma_start3A_74 = tpu.memref_slice %arg6[%add3A_67, %dma_start3A_73] : memref<10008x128xf32, #tpu.memory_space<vmem_shared>> -> memref<208x128xf32, #tpu.memory_space<vmem_shared>>
        %dma_start3A_75 = arith.constant 208 : i32
        %dma_start3A_76 = arith.constant 0 : i32
        %dma_start3A_77 = tpu.memref_slice %arg4[%dma_start3A_75, %dma_start3A_76] : memref<640x128xf32, #tpu.memory_space<hbm>> -> memref<208x128xf32, #tpu.memory_space<hbm>>
        tpu.enqueue_dma source(%dma_start3A_77 : memref<208x128xf32, #tpu.memory_space<hbm>>) target(%dma_start3A_74 : memref<208x128xf32, #tpu.memory_space<vmem_shared>>) target_semaphore(%run_scoped3A_72 : memref<!tpu.dma_semaphore, #tpu.memory_space<semaphore_mem>>)
        %dma_wait3A_78 = arith.constant 0 : i32
        %dma_wait3A_79 = tpu.memref_slice %arg6[%add3A_67, %dma_wait3A_78] : memref<10008x128xf32, #tpu.memory_space<vmem_shared>> -> memref<208x128xf32, #tpu.memory_space<vmem_shared>>
        %dma_wait3A_80 = arith.constant 208 : i32
        %dma_wait3A_81 = arith.constant 0 : i32
        %dma_wait3A_82 = tpu.memref_slice %arg4[%dma_wait3A_80, %dma_wait3A_81] : memref<640x128xf32, #tpu.memory_space<hbm>> -> memref<208x128xf32, #tpu.memory_space<hbm>>
        tpu.wait_dma2 semaphore(%run_scoped3A_72 : memref<!tpu.dma_semaphore, #tpu.memory_space<semaphore_mem>>) src(%dma_wait3A_82 : memref<208x128xf32, #tpu.memory_space<hbm>>) dst(%dma_wait3A_79 : memref<208x128xf32, #tpu.memory_space<vmem_shared>>)
        tpu.yield
      }) : () -> ()
      %add3A_68 = arith.constant 416 : i32
      %add3A_69 = arith.addi %mul3A_0, %add3A_68 : i32
      "tpu.region"() ({
        %run_scoped3A_72 = tpu.sem_alloc : memref<!tpu.dma_semaphore, #tpu.memory_space<semaphore_mem>>
        %dma_start3A_73 = arith.constant 0 : i32
        %dma_start3A_74 = tpu.memref_slice %arg6[%add3A_69, %dma_start3A_73] : memref<10008x128xf32, #tpu.memory_space<vmem_shared>> -> memref<208x128xf32, #tpu.memory_space<vmem_shared>>
        %dma_start3A_75 = arith.constant 416 : i32
        %dma_start3A_76 = arith.constant 0 : i32
        %dma_start3A_77 = tpu.memref_slice %arg4[%dma_start3A_75, %dma_start3A_76] : memref<640x128xf32, #tpu.memory_space<hbm>> -> memref<208x128xf32, #tpu.memory_space<hbm>>
        tpu.enqueue_dma source(%dma_start3A_77 : memref<208x128xf32, #tpu.memory_space<hbm>>) target(%dma_start3A_74 : memref<208x128xf32, #tpu.memory_space<vmem_shared>>) target_semaphore(%run_scoped3A_72 : memref<!tpu.dma_semaphore, #tpu.memory_space<semaphore_mem>>)
        %dma_wait3A_78 = arith.constant 0 : i32
        %dma_wait3A_79 = tpu.memref_slice %arg6[%add3A_69, %dma_wait3A_78] : memref<10008x128xf32, #tpu.memory_space<vmem_shared>> -> memref<208x128xf32, #tpu.memory_space<vmem_shared>>
        %dma_wait3A_80 = arith.constant 416 : i32
        %dma_wait3A_81 = arith.constant 0 : i32
        %dma_wait3A_82 = tpu.memref_slice %arg4[%dma_wait3A_80, %dma_wait3A_81] : memref<640x128xf32, #tpu.memory_space<hbm>> -> memref<208x128xf32, #tpu.memory_space<hbm>>
        tpu.wait_dma2 semaphore(%run_scoped3A_72 : memref<!tpu.dma_semaphore, #tpu.memory_space<semaphore_mem>>) src(%dma_wait3A_82 : memref<208x128xf32, #tpu.memory_space<hbm>>) dst(%dma_wait3A_79 : memref<208x128xf32, #tpu.memory_space<vmem_shared>>)
        tpu.yield
      }) : () -> ()
      %add3A_70 = arith.constant 624 : i32
      %add3A_71 = arith.addi %mul3A_0, %add3A_70 : i32
      "tpu.region"() ({
        %run_scoped3A_72 = tpu.sem_alloc : memref<!tpu.dma_semaphore, #tpu.memory_space<semaphore_mem>>
        %dma_start3A_73 = arith.constant 0 : i32
        %dma_start3A_74 = tpu.memref_slice %arg6[%add3A_71, %dma_start3A_73] : memref<10008x128xf32, #tpu.memory_space<vmem_shared>> -> memref<16x128xf32, #tpu.memory_space<vmem_shared>>
        %dma_start3A_75 = arith.constant 624 : i32
        %dma_start3A_76 = arith.constant 0 : i32
        %dma_start3A_77 = tpu.memref_slice %arg4[%dma_start3A_75, %dma_start3A_76] : memref<640x128xf32, #tpu.memory_space<hbm>> -> memref<16x128xf32, #tpu.memory_space<hbm>>
        tpu.enqueue_dma source(%dma_start3A_77 : memref<16x128xf32, #tpu.memory_space<hbm>>) target(%dma_start3A_74 : memref<16x128xf32, #tpu.memory_space<vmem_shared>>) target_semaphore(%run_scoped3A_72 : memref<!tpu.dma_semaphore, #tpu.memory_space<semaphore_mem>>)
        %dma_wait3A_78 = arith.constant 0 : i32
        %dma_wait3A_79 = tpu.memref_slice %arg6[%add3A_71, %dma_wait3A_78] : memref<10008x128xf32, #tpu.memory_space<vmem_shared>> -> memref<16x128xf32, #tpu.memory_space<vmem_shared>>
        %dma_wait3A_80 = arith.constant 624 : i32
        %dma_wait3A_81 = arith.constant 0 : i32
        %dma_wait3A_82 = tpu.memref_slice %arg4[%dma_wait3A_80, %dma_wait3A_81] : memref<640x128xf32, #tpu.memory_space<hbm>> -> memref<16x128xf32, #tpu.memory_space<hbm>>
        tpu.wait_dma2 semaphore(%run_scoped3A_72 : memref<!tpu.dma_semaphore, #tpu.memory_space<semaphore_mem>>) src(%dma_wait3A_82 : memref<16x128xf32, #tpu.memory_space<hbm>>) dst(%dma_wait3A_79 : memref<16x128xf32, #tpu.memory_space<vmem_shared>>)
        tpu.yield
      }) : () -> ()
    } else {
    }
    %eq3A_11 = arith.constant 0 : i32
    %eq3A_12 = arith.cmpi eq, %arg1, %eq3A_11 : i32
    %convert_element_type3A_13 = arith.extui %eq3A_12 : i1 to i32
    %cond3A_14 = arith.constant 0 : i32
    %cond3A_15 = arith.cmpi ne, %convert_element_type3A_13, %cond3A_14 : i32
    scf.if %cond3A_15 {
      "tpu.region"() ({
        %run_scoped3A_64 = tpu.sem_alloc : memref<!tpu.dma_semaphore, #tpu.memory_space<semaphore_mem>>
        %dma_start3A_65 = arith.constant 10000 : i32
        %dma_start3A_66 = arith.constant 0 : i32
        %dma_start3A_67 = tpu.memref_slice %arg6[%dma_start3A_65, %dma_start3A_66] : memref<10008x128xf32, #tpu.memory_space<vmem_shared>> -> memref<8x128xf32, #tpu.memory_space<vmem_shared>>
        %dma_start3A_68 = arith.constant 0 : i32
        %dma_start3A_69 = arith.constant 0 : i32
        %dma_start3A_70 = tpu.memref_slice %arg4[%dma_start3A_68, %dma_start3A_69] : memref<640x128xf32, #tpu.memory_space<hbm>> -> memref<8x128xf32, #tpu.memory_space<hbm>>
        tpu.enqueue_dma source(%dma_start3A_70 : memref<8x128xf32, #tpu.memory_space<hbm>>) target(%dma_start3A_67 : memref<8x128xf32, #tpu.memory_space<vmem_shared>>) target_semaphore(%run_scoped3A_64 : memref<!tpu.dma_semaphore, #tpu.memory_space<semaphore_mem>>)
        %dma_wait3A_71 = arith.constant 10000 : i32
        %dma_wait3A_72 = arith.constant 0 : i32
        %dma_wait3A_73 = tpu.memref_slice %arg6[%dma_wait3A_71, %dma_wait3A_72] : memref<10008x128xf32, #tpu.memory_space<vmem_shared>> -> memref<8x128xf32, #tpu.memory_space<vmem_shared>>
        %dma_wait3A_74 = arith.constant 0 : i32
        %dma_wait3A_75 = arith.constant 0 : i32
        %dma_wait3A_76 = tpu.memref_slice %arg4[%dma_wait3A_74, %dma_wait3A_75] : memref<640x128xf32, #tpu.memory_space<hbm>> -> memref<8x128xf32, #tpu.memory_space<hbm>>
        tpu.wait_dma2 semaphore(%run_scoped3A_64 : memref<!tpu.dma_semaphore, #tpu.memory_space<semaphore_mem>>) src(%dma_wait3A_76 : memref<8x128xf32, #tpu.memory_space<hbm>>) dst(%dma_wait3A_73 : memref<8x128xf32, #tpu.memory_space<vmem_shared>>)
        tpu.yield
      }) : () -> ()
    } else {
    }
    "tpu.region"() ({
      %run_scoped3A_64 = tpu.sem_alloc : memref<!tpu.dma_semaphore, #tpu.memory_space<semaphore_mem>>
      tpu.enqueue_dma source(%arg3 : memref<128x128xf32, #tpu.memory_space<hbm>>) target(%arg8 : memref<128x128xf32, #tpu.memory_space<vmem>>) target_semaphore(%run_scoped3A_64 : memref<!tpu.dma_semaphore, #tpu.memory_space<semaphore_mem>>)
      tpu.wait_dma2 semaphore(%run_scoped3A_64 : memref<!tpu.dma_semaphore, #tpu.memory_space<semaphore_mem>>) src(%arg3 : memref<128x128xf32, #tpu.memory_space<hbm>>) dst(%arg8 : memref<128x128xf32, #tpu.memory_space<vmem>>)
      tpu.yield
    }) : () -> ()
    %barrier3A = arith.constant 0 : index
    tpu.barrier barrier_id(%barrier3A)
    %mul3A_16 = arith.constant 128 : i32
    %mul3A_17 = arith.muli %mul3A_4, %mul3A_16 : i32
    %run_scoped3A = arith.constant 0 : i32
    "tpu.region"() ({
      %run_scoped3A_64 = tpu.sem_alloc : memref<!tpu.dma_semaphore, #tpu.memory_space<semaphore_mem>>
      %dma_start3A_65 = arith.constant 0 : i32
      %dma_start3A_66 = tpu.memref_slice %arg7[%run_scoped3A, %dma_start3A_65] : memref<2x128xi32, #tpu.memory_space<vmem>> -> memref<1x128xi32, #tpu.memory_space<vmem>>
      %dma_start3A_67 = tpu.memref_squeeze %dma_start3A_66 : memref<1x128xi32, #tpu.memory_space<vmem>> -> memref<128xi32, #tpu.memory_space<vmem>>
      %dma_start3A_68 = tpu.memref_slice %arg2[%mul3A_17] : memref<327680xi32, #tpu.memory_space<hbm>> -> memref<128xi32, #tpu.memory_space<hbm>>
      %dma_start3A_69 = arith.constant 0 : i32
      %dma_start3A_70 = tpu.memref_slice %arg7[%run_scoped3A, %dma_start3A_69] : memref<2x128xi32, #tpu.memory_space<vmem>> -> memref<1x128xi32, #tpu.memory_space<vmem>>
      %dma_start3A_71 = tpu.memref_squeeze %dma_start3A_70 : memref<1x128xi32, #tpu.memory_space<vmem>> -> memref<128xi32, #tpu.memory_space<vmem>>
      %dma_start3A_72 = tpu.memref_slice %arg2[%mul3A_17] : memref<327680xi32, #tpu.memory_space<hbm>> -> memref<128xi32, #tpu.memory_space<hbm>>
      tpu.enqueue_dma source(%dma_start3A_72 : memref<128xi32, #tpu.memory_space<hbm>>) target(%dma_start3A_71 : memref<128xi32, #tpu.memory_space<vmem>>) target_semaphore(%run_scoped3A_64 : memref<!tpu.dma_semaphore, #tpu.memory_space<semaphore_mem>>)
      %dma_wait3A_73 = arith.constant 0 : i32
      %dma_wait3A_74 = tpu.memref_slice %arg7[%run_scoped3A, %dma_wait3A_73] : memref<2x128xi32, #tpu.memory_space<vmem>> -> memref<1x128xi32, #tpu.memory_space<vmem>>
      %dma_wait3A_75 = tpu.memref_squeeze %dma_wait3A_74 : memref<1x128xi32, #tpu.memory_space<vmem>> -> memref<128xi32, #tpu.memory_space<vmem>>
      %dma_wait3A_76 = tpu.memref_slice %arg2[%mul3A_17] : memref<327680xi32, #tpu.memory_space<hbm>> -> memref<128xi32, #tpu.memory_space<hbm>>
      %dma_wait3A_77 = arith.constant 0 : i32
      %dma_wait3A_78 = tpu.memref_slice %arg7[%run_scoped3A, %dma_wait3A_77] : memref<2x128xi32, #tpu.memory_space<vmem>> -> memref<1x128xi32, #tpu.memory_space<vmem>>
      %dma_wait3A_79 = tpu.memref_squeeze %dma_wait3A_78 : memref<1x128xi32, #tpu.memory_space<vmem>> -> memref<128xi32, #tpu.memory_space<vmem>>
      %dma_wait3A_80 = tpu.memref_slice %arg2[%mul3A_17] : memref<327680xi32, #tpu.memory_space<hbm>> -> memref<128xi32, #tpu.memory_space<hbm>>
      tpu.wait_dma2 semaphore(%run_scoped3A_64 : memref<!tpu.dma_semaphore, #tpu.memory_space<semaphore_mem>>) src(%dma_wait3A_80 : memref<128xi32, #tpu.memory_space<hbm>>) dst(%dma_wait3A_79 : memref<128xi32, #tpu.memory_space<vmem>>)
      tpu.yield
    }) : () -> ()
    %dma_start3A = arith.constant 0 : i32
    %dma_start3A_18 = arith.constant 0 : i32
    %dma_start3A_19 = tpu.memref_slice %arg7[%dma_start3A, %dma_start3A_18] : memref<2x128xi32, #tpu.memory_space<vmem>> -> memref<1x128xi32, #tpu.memory_space<vmem>>
    %dma_start3A_20 = tpu.memref_squeeze %dma_start3A_19 : memref<1x128xi32, #tpu.memory_space<vmem>> -> memref<128xi32, #tpu.memory_space<vmem>>
    %dma_start3A_21 = arith.constant 0 : i32
    %dma_start3A_22 = arith.constant 0 : i32
    %dma_start3A_23 = tpu.memref_slice %arg6[%dma_start3A_21, %dma_start3A_22] : memref<10008x128xf32, #tpu.memory_space<vmem_shared>> -> memref<10008x128xf32, #tpu.memory_space<vmem_shared>>
    tpu.enqueue_indirect_dma source(%arg8 : memref<128x128xf32, #tpu.memory_space<vmem>>) target(%dma_start3A_23 : memref<10008x128xf32, #tpu.memory_space<vmem_shared>>) offsets(%dma_start3A_20 : memref<128xi32, #tpu.memory_space<vmem>>) semaphore(%arg9 : memref<!tpu.dma_semaphore, #tpu.memory_space<semaphore_mem>>) {add = true}
    %add3A_24 = arith.constant 1 : i32
    %add3A_25 = arith.addi %mul3A_4, %add3A_24 : i32
    %mul3A_26 = arith.constant 128 : i32
    %mul3A_27 = arith.muli %add3A_25, %mul3A_26 : i32
    %run_scoped3A_28 = arith.constant 1 : i32
    "tpu.region"() ({
      %run_scoped3A_64 = tpu.sem_alloc : memref<!tpu.dma_semaphore, #tpu.memory_space<semaphore_mem>>
      %dma_start3A_65 = arith.constant 0 : i32
      %dma_start3A_66 = tpu.memref_slice %arg7[%run_scoped3A_28, %dma_start3A_65] : memref<2x128xi32, #tpu.memory_space<vmem>> -> memref<1x128xi32, #tpu.memory_space<vmem>>
      %dma_start3A_67 = tpu.memref_squeeze %dma_start3A_66 : memref<1x128xi32, #tpu.memory_space<vmem>> -> memref<128xi32, #tpu.memory_space<vmem>>
      %dma_start3A_68 = tpu.memref_slice %arg2[%mul3A_27] : memref<327680xi32, #tpu.memory_space<hbm>> -> memref<128xi32, #tpu.memory_space<hbm>>
      %dma_start3A_69 = arith.constant 0 : i32
      %dma_start3A_70 = tpu.memref_slice %arg7[%run_scoped3A_28, %dma_start3A_69] : memref<2x128xi32, #tpu.memory_space<vmem>> -> memref<1x128xi32, #tpu.memory_space<vmem>>
      %dma_start3A_71 = tpu.memref_squeeze %dma_start3A_70 : memref<1x128xi32, #tpu.memory_space<vmem>> -> memref<128xi32, #tpu.memory_space<vmem>>
      %dma_start3A_72 = tpu.memref_slice %arg2[%mul3A_27] : memref<327680xi32, #tpu.memory_space<hbm>> -> memref<128xi32, #tpu.memory_space<hbm>>
      tpu.enqueue_dma source(%dma_start3A_72 : memref<128xi32, #tpu.memory_space<hbm>>) target(%dma_start3A_71 : memref<128xi32, #tpu.memory_space<vmem>>) target_semaphore(%run_scoped3A_64 : memref<!tpu.dma_semaphore, #tpu.memory_space<semaphore_mem>>)
      %dma_wait3A_73 = arith.constant 0 : i32
      %dma_wait3A_74 = tpu.memref_slice %arg7[%run_scoped3A_28, %dma_wait3A_73] : memref<2x128xi32, #tpu.memory_space<vmem>> -> memref<1x128xi32, #tpu.memory_space<vmem>>
      %dma_wait3A_75 = tpu.memref_squeeze %dma_wait3A_74 : memref<1x128xi32, #tpu.memory_space<vmem>> -> memref<128xi32, #tpu.memory_space<vmem>>
      %dma_wait3A_76 = tpu.memref_slice %arg2[%mul3A_27] : memref<327680xi32, #tpu.memory_space<hbm>> -> memref<128xi32, #tpu.memory_space<hbm>>
      %dma_wait3A_77 = arith.constant 0 : i32
      %dma_wait3A_78 = tpu.memref_slice %arg7[%run_scoped3A_28, %dma_wait3A_77] : memref<2x128xi32, #tpu.memory_space<vmem>> -> memref<1x128xi32, #tpu.memory_space<vmem>>
      %dma_wait3A_79 = tpu.memref_squeeze %dma_wait3A_78 : memref<1x128xi32, #tpu.memory_space<vmem>> -> memref<128xi32, #tpu.memory_space<vmem>>
      %dma_wait3A_80 = tpu.memref_slice %arg2[%mul3A_27] : memref<327680xi32, #tpu.memory_space<hbm>> -> memref<128xi32, #tpu.memory_space<hbm>>
      tpu.wait_dma2 semaphore(%run_scoped3A_64 : memref<!tpu.dma_semaphore, #tpu.memory_space<semaphore_mem>>) src(%dma_wait3A_80 : memref<128xi32, #tpu.memory_space<hbm>>) dst(%dma_wait3A_79 : memref<128xi32, #tpu.memory_space<vmem>>)
      tpu.yield
    }) : () -> ()
    %dma_start3A_29 = arith.constant 1 : i32
    %dma_start3A_30 = arith.constant 0 : i32
    %dma_start3A_31 = tpu.memref_slice %arg7[%dma_start3A_29, %dma_start3A_30] : memref<2x128xi32, #tpu.memory_space<vmem>> -> memref<1x128xi32, #tpu.memory_space<vmem>>
    %dma_start3A_32 = tpu.memref_squeeze %dma_start3A_31 : memref<1x128xi32, #tpu.memory_space<vmem>> -> memref<128xi32, #tpu.memory_space<vmem>>
    %dma_start3A_33 = arith.constant 0 : i32
    %dma_start3A_34 = arith.constant 0 : i32
    %dma_start3A_35 = tpu.memref_slice %arg6[%dma_start3A_33, %dma_start3A_34] : memref<10008x128xf32, #tpu.memory_space<vmem_shared>> -> memref<10008x128xf32, #tpu.memory_space<vmem_shared>>
    tpu.enqueue_indirect_dma source(%arg8 : memref<128x128xf32, #tpu.memory_space<vmem>>) target(%dma_start3A_35 : memref<10008x128xf32, #tpu.memory_space<vmem_shared>>) offsets(%dma_start3A_32 : memref<128xi32, #tpu.memory_space<vmem>>) semaphore(%arg9 : memref<!tpu.dma_semaphore, #tpu.memory_space<semaphore_mem>>) {add = true}
    %scan3A = arith.constant 0 : i32
    %scan3A_36 = arith.constant 78 : i32
    %scan3A_37 = arith.addi %scan3A, %scan3A_36 : i32
    %scan3A_38 = arith.constant 1 : i32
    scf.for %scan3A_64 = %scan3A to %scan3A_37 step %scan3A_38  : i32 {
      %mul3A_65 = arith.constant 1 : i32
      %mul3A_66 = arith.muli %scan3A_64, %mul3A_65 : i32
      %add3A_67 = arith.constant 2 : i32
      %add3A_68 = arith.addi %add3A_67, %mul3A_66 : i32
      %rem3A = arith.constant 2 : i32
      %rem3A_69 = arith.remsi %add3A_68, %rem3A : i32
      %dma_wait3A_70 = arith.constant 0 : i32
      %dma_wait3A_71 = tpu.memref_slice %arg7[%rem3A_69, %dma_wait3A_70] : memref<2x128xi32, #tpu.memory_space<vmem>> -> memref<1x128xi32, #tpu.memory_space<vmem>>
      %dma_wait3A_72 = tpu.memref_squeeze %dma_wait3A_71 : memref<1x128xi32, #tpu.memory_space<vmem>> -> memref<128xi32, #tpu.memory_space<vmem>>
      %dma_wait3A_73 = arith.constant 0 : i32
      %dma_wait3A_74 = arith.constant 0 : i32
      %dma_wait3A_75 = tpu.memref_slice %arg6[%dma_wait3A_73, %dma_wait3A_74] : memref<10008x128xf32, #tpu.memory_space<vmem_shared>> -> memref<10008x128xf32, #tpu.memory_space<vmem_shared>>
      tpu.wait_indirect_dma semaphore(%arg9 : memref<!tpu.dma_semaphore, #tpu.memory_space<semaphore_mem>>) src(%arg8 : memref<128x128xf32, #tpu.memory_space<vmem>>) dst(%dma_wait3A_75 : memref<10008x128xf32, #tpu.memory_space<vmem_shared>>)
      %add3A_76 = arith.addi %mul3A_4, %add3A_68 : i32
      %mul3A_77 = arith.constant 128 : i32
      %mul3A_78 = arith.muli %add3A_76, %mul3A_77 : i32
      "tpu.region"() ({
        %run_scoped3A_85 = tpu.sem_alloc : memref<!tpu.dma_semaphore, #tpu.memory_space<semaphore_mem>>
        %dma_start3A_86 = arith.constant 0 : i32
        %dma_start3A_87 = tpu.memref_slice %arg7[%rem3A_69, %dma_start3A_86] : memref<2x128xi32, #tpu.memory_space<vmem>> -> memref<1x128xi32, #tpu.memory_space<vmem>>
        %dma_start3A_88 = tpu.memref_squeeze %dma_start3A_87 : memref<1x128xi32, #tpu.memory_space<vmem>> -> memref<128xi32, #tpu.memory_space<vmem>>
        %dma_start3A_89 = tpu.memref_slice %arg2[%mul3A_78] : memref<327680xi32, #tpu.memory_space<hbm>> -> memref<128xi32, #tpu.memory_space<hbm>>
        %dma_start3A_90 = arith.constant 0 : i32
        %dma_start3A_91 = tpu.memref_slice %arg7[%rem3A_69, %dma_start3A_90] : memref<2x128xi32, #tpu.memory_space<vmem>> -> memref<1x128xi32, #tpu.memory_space<vmem>>
        %dma_start3A_92 = tpu.memref_squeeze %dma_start3A_91 : memref<1x128xi32, #tpu.memory_space<vmem>> -> memref<128xi32, #tpu.memory_space<vmem>>
        %dma_start3A_93 = tpu.memref_slice %arg2[%mul3A_78] : memref<327680xi32, #tpu.memory_space<hbm>> -> memref<128xi32, #tpu.memory_space<hbm>>
        tpu.enqueue_dma source(%dma_start3A_93 : memref<128xi32, #tpu.memory_space<hbm>>) target(%dma_start3A_92 : memref<128xi32, #tpu.memory_space<vmem>>) target_semaphore(%run_scoped3A_85 : memref<!tpu.dma_semaphore, #tpu.memory_space<semaphore_mem>>)
        %dma_wait3A_94 = arith.constant 0 : i32
        %dma_wait3A_95 = tpu.memref_slice %arg7[%rem3A_69, %dma_wait3A_94] : memref<2x128xi32, #tpu.memory_space<vmem>> -> memref<1x128xi32, #tpu.memory_space<vmem>>
        %dma_wait3A_96 = tpu.memref_squeeze %dma_wait3A_95 : memref<1x128xi32, #tpu.memory_space<vmem>> -> memref<128xi32, #tpu.memory_space<vmem>>
        %dma_wait3A_97 = tpu.memref_slice %arg2[%mul3A_78] : memref<327680xi32, #tpu.memory_space<hbm>> -> memref<128xi32, #tpu.memory_space<hbm>>
        %dma_wait3A_98 = arith.constant 0 : i32
        %dma_wait3A_99 = tpu.memref_slice %arg7[%rem3A_69, %dma_wait3A_98] : memref<2x128xi32, #tpu.memory_space<vmem>> -> memref<1x128xi32, #tpu.memory_space<vmem>>
        %dma_wait3A_100 = tpu.memref_squeeze %dma_wait3A_99 : memref<1x128xi32, #tpu.memory_space<vmem>> -> memref<128xi32, #tpu.memory_space<vmem>>
        %dma_wait3A_101 = tpu.memref_slice %arg2[%mul3A_78] : memref<327680xi32, #tpu.memory_space<hbm>> -> memref<128xi32, #tpu.memory_space<hbm>>
        tpu.wait_dma2 semaphore(%run_scoped3A_85 : memref<!tpu.dma_semaphore, #tpu.memory_space<semaphore_mem>>) src(%dma_wait3A_101 : memref<128xi32, #tpu.memory_space<hbm>>) dst(%dma_wait3A_100 : memref<128xi32, #tpu.memory_space<vmem>>)
        tpu.yield
      }) : () -> ()
      %dma_start3A_79 = arith.constant 0 : i32
      %dma_start3A_80 = tpu.memref_slice %arg7[%rem3A_69, %dma_start3A_79] : memref<2x128xi32, #tpu.memory_space<vmem>> -> memref<1x128xi32, #tpu.memory_space<vmem>>
      %dma_start3A_81 = tpu.memref_squeeze %dma_start3A_80 : memref<1x128xi32, #tpu.memory_space<vmem>> -> memref<128xi32, #tpu.memory_space<vmem>>
      %dma_start3A_82 = arith.constant 0 : i32
      %dma_start3A_83 = arith.constant 0 : i32
      %dma_start3A_84 = tpu.memref_slice %arg6[%dma_start3A_82, %dma_start3A_83] : memref<10008x128xf32, #tpu.memory_space<vmem_shared>> -> memref<10008x128xf32, #tpu.memory_space<vmem_shared>>
      tpu.enqueue_indirect_dma source(%arg8 : memref<128x128xf32, #tpu.memory_space<vmem>>) target(%dma_start3A_84 : memref<10008x128xf32, #tpu.memory_space<vmem_shared>>) offsets(%dma_start3A_81 : memref<128xi32, #tpu.memory_space<vmem>>) semaphore(%arg9 : memref<!tpu.dma_semaphore, #tpu.memory_space<semaphore_mem>>) {add = true}
    }
    %scan3A_39 = arith.constant 78 : i32
    %dma_wait3A = arith.constant 0 : i32
    %dma_wait3A_40 = arith.constant 0 : i32
    %dma_wait3A_41 = tpu.memref_slice %arg7[%dma_wait3A, %dma_wait3A_40] : memref<2x128xi32, #tpu.memory_space<vmem>> -> memref<1x128xi32, #tpu.memory_space<vmem>>
    %dma_wait3A_42 = tpu.memref_squeeze %dma_wait3A_41 : memref<1x128xi32, #tpu.memory_space<vmem>> -> memref<128xi32, #tpu.memory_space<vmem>>
    %dma_wait3A_43 = arith.constant 0 : i32
    %dma_wait3A_44 = arith.constant 0 : i32
    %dma_wait3A_45 = tpu.memref_slice %arg6[%dma_wait3A_43, %dma_wait3A_44] : memref<10008x128xf32, #tpu.memory_space<vmem_shared>> -> memref<10008x128xf32, #tpu.memory_space<vmem_shared>>
    tpu.wait_indirect_dma semaphore(%arg9 : memref<!tpu.dma_semaphore, #tpu.memory_space<semaphore_mem>>) src(%arg8 : memref<128x128xf32, #tpu.memory_space<vmem>>) dst(%dma_wait3A_45 : memref<10008x128xf32, #tpu.memory_space<vmem_shared>>)
    %dma_wait3A_46 = arith.constant 1 : i32
    %dma_wait3A_47 = arith.constant 0 : i32
    %dma_wait3A_48 = tpu.memref_slice %arg7[%dma_wait3A_46, %dma_wait3A_47] : memref<2x128xi32, #tpu.memory_space<vmem>> -> memref<1x128xi32, #tpu.memory_space<vmem>>
    %dma_wait3A_49 = tpu.memref_squeeze %dma_wait3A_48 : memref<1x128xi32, #tpu.memory_space<vmem>> -> memref<128xi32, #tpu.memory_space<vmem>>
    %dma_wait3A_50 = arith.constant 0 : i32
    %dma_wait3A_51 = arith.constant 0 : i32
    %dma_wait3A_52 = tpu.memref_slice %arg6[%dma_wait3A_50, %dma_wait3A_51] : memref<10008x128xf32, #tpu.memory_space<vmem_shared>> -> memref<10008x128xf32, #tpu.memory_space<vmem_shared>>
    tpu.wait_indirect_dma semaphore(%arg9 : memref<!tpu.dma_semaphore, #tpu.memory_space<semaphore_mem>>) src(%arg8 : memref<128x128xf32, #tpu.memory_space<vmem>>) dst(%dma_wait3A_52 : memref<10008x128xf32, #tpu.memory_space<vmem_shared>>)
    %barrier3A_53 = arith.constant 0 : index
    tpu.barrier barrier_id(%barrier3A_53)
    %lt3A_54 = arith.constant 15 : i32
    %lt3A_55 = arith.cmpi slt, %arg1, %lt3A_54 : i32
    %convert_element_type3A_56 = arith.extui %lt3A_55 : i1 to i32
    %cond3A_57 = arith.constant 0 : i32
    %cond3A_58 = arith.cmpi ne, %convert_element_type3A_56, %cond3A_57 : i32
    scf.if %cond3A_58 {
      %add3A_64 = arith.constant 0 : i32
      %add3A_65 = arith.addi %mul3A_0, %add3A_64 : i32
      %mul3A_66 = arith.constant 10000 : i32
      %mul3A_67 = arith.muli %arg0, %mul3A_66 : i32
      %add3A_68 = arith.addi %mul3A_67, %mul3A_0 : i32
      %add3A_69 = arith.constant 0 : i32
      %add3A_70 = arith.addi %add3A_68, %add3A_69 : i32
      "tpu.region"() ({
        %run_scoped3A_85 = tpu.sem_alloc : memref<!tpu.dma_semaphore, #tpu.memory_space<semaphore_mem>>
        %dma_start3A_86 = arith.constant 0 : i32
        %dma_start3A_87 = tpu.memref_slice %arg5[%add3A_70, %dma_start3A_86] : memref<20000x128xf32, #tpu.memory_space<hbm>> -> memref<208x128xf32, #tpu.memory_space<hbm>>
        %dma_start3A_88 = arith.constant 0 : i32
        %dma_start3A_89 = tpu.memref_slice %arg6[%add3A_65, %dma_start3A_88] : memref<10008x128xf32, #tpu.memory_space<vmem_shared>> -> memref<208x128xf32, #tpu.memory_space<vmem_shared>>
        tpu.enqueue_dma source(%dma_start3A_89 : memref<208x128xf32, #tpu.memory_space<vmem_shared>>) target(%dma_start3A_87 : memref<208x128xf32, #tpu.memory_space<hbm>>) target_semaphore(%run_scoped3A_85 : memref<!tpu.dma_semaphore, #tpu.memory_space<semaphore_mem>>)
        %dma_wait3A_90 = arith.constant 0 : i32
        %dma_wait3A_91 = tpu.memref_slice %arg5[%add3A_70, %dma_wait3A_90] : memref<20000x128xf32, #tpu.memory_space<hbm>> -> memref<208x128xf32, #tpu.memory_space<hbm>>
        %dma_wait3A_92 = arith.constant 0 : i32
        %dma_wait3A_93 = tpu.memref_slice %arg6[%add3A_65, %dma_wait3A_92] : memref<10008x128xf32, #tpu.memory_space<vmem_shared>> -> memref<208x128xf32, #tpu.memory_space<vmem_shared>>
        tpu.wait_dma2 semaphore(%run_scoped3A_85 : memref<!tpu.dma_semaphore, #tpu.memory_space<semaphore_mem>>) src(%dma_wait3A_93 : memref<208x128xf32, #tpu.memory_space<vmem_shared>>) dst(%dma_wait3A_91 : memref<208x128xf32, #tpu.memory_space<hbm>>)
        tpu.yield
      }) : () -> ()
      %add3A_71 = arith.constant 208 : i32
      %add3A_72 = arith.addi %mul3A_0, %add3A_71 : i32
      %mul3A_73 = arith.constant 10000 : i32
      %mul3A_74 = arith.muli %arg0, %mul3A_73 : i32
      %add3A_75 = arith.addi %mul3A_74, %mul3A_0 : i32
      %add3A_76 = arith.constant 208 : i32
      %add3A_77 = arith.addi %add3A_75, %add3A_76 : i32
      "tpu.region"() ({
        %run_scoped3A_85 = tpu.sem_alloc : memref<!tpu.dma_semaphore, #tpu.memory_space<semaphore_mem>>
        %dma_start3A_86 = arith.constant 0 : i32
        %dma_start3A_87 = tpu.memref_slice %arg5[%add3A_77, %dma_start3A_86] : memref<20000x128xf32, #tpu.memory_space<hbm>> -> memref<208x128xf32, #tpu.memory_space<hbm>>
        %dma_start3A_88 = arith.constant 0 : i32
        %dma_start3A_89 = tpu.memref_slice %arg6[%add3A_72, %dma_start3A_88] : memref<10008x128xf32, #tpu.memory_space<vmem_shared>> -> memref<208x128xf32, #tpu.memory_space<vmem_shared>>
        tpu.enqueue_dma source(%dma_start3A_89 : memref<208x128xf32, #tpu.memory_space<vmem_shared>>) target(%dma_start3A_87 : memref<208x128xf32, #tpu.memory_space<hbm>>) target_semaphore(%run_scoped3A_85 : memref<!tpu.dma_semaphore, #tpu.memory_space<semaphore_mem>>)
        %dma_wait3A_90 = arith.constant 0 : i32
        %dma_wait3A_91 = tpu.memref_slice %arg5[%add3A_77, %dma_wait3A_90] : memref<20000x128xf32, #tpu.memory_space<hbm>> -> memref<208x128xf32, #tpu.memory_space<hbm>>
        %dma_wait3A_92 = arith.constant 0 : i32
        %dma_wait3A_93 = tpu.memref_slice %arg6[%add3A_72, %dma_wait3A_92] : memref<10008x128xf32, #tpu.memory_space<vmem_shared>> -> memref<208x128xf32, #tpu.memory_space<vmem_shared>>
        tpu.wait_dma2 semaphore(%run_scoped3A_85 : memref<!tpu.dma_semaphore, #tpu.memory_space<semaphore_mem>>) src(%dma_wait3A_93 : memref<208x128xf32, #tpu.memory_space<vmem_shared>>) dst(%dma_wait3A_91 : memref<208x128xf32, #tpu.memory_space<hbm>>)
        tpu.yield
      }) : () -> ()
      %add3A_78 = arith.constant 416 : i32
      %add3A_79 = arith.addi %mul3A_0, %add3A_78 : i32
      %mul3A_80 = arith.constant 10000 : i32
      %mul3A_81 = arith.muli %arg0, %mul3A_80 : i32
      %add3A_82 = arith.addi %mul3A_81, %mul3A_0 : i32
      %add3A_83 = arith.constant 416 : i32
      %add3A_84 = arith.addi %add3A_82, %add3A_83 : i32
      "tpu.region"() ({
        %run_scoped3A_85 = tpu.sem_alloc : memref<!tpu.dma_semaphore, #tpu.memory_space<semaphore_mem>>
        %dma_start3A_86 = arith.constant 0 : i32
        %dma_start3A_87 = tpu.memref_slice %arg5[%add3A_84, %dma_start3A_86] : memref<20000x128xf32, #tpu.memory_space<hbm>> -> memref<208x128xf32, #tpu.memory_space<hbm>>
        %dma_start3A_88 = arith.constant 0 : i32
        %dma_start3A_89 = tpu.memref_slice %arg6[%add3A_79, %dma_start3A_88] : memref<10008x128xf32, #tpu.memory_space<vmem_shared>> -> memref<208x128xf32, #tpu.memory_space<vmem_shared>>
        tpu.enqueue_dma source(%dma_start3A_89 : memref<208x128xf32, #tpu.memory_space<vmem_shared>>) target(%dma_start3A_87 : memref<208x128xf32, #tpu.memory_space<hbm>>) target_semaphore(%run_scoped3A_85 : memref<!tpu.dma_semaphore, #tpu.memory_space<semaphore_mem>>)
        %dma_wait3A_90 = arith.constant 0 : i32
        %dma_wait3A_91 = tpu.memref_slice %arg5[%add3A_84, %dma_wait3A_90] : memref<20000x128xf32, #tpu.memory_space<hbm>> -> memref<208x128xf32, #tpu.memory_space<hbm>>
        %dma_wait3A_92 = arith.constant 0 : i32
        %dma_wait3A_93 = tpu.memref_slice %arg6[%add3A_79, %dma_wait3A_92] : memref<10008x128xf32, #tpu.memory_space<vmem_shared>> -> memref<208x128xf32, #tpu.memory_space<vmem_shared>>
        tpu.wait_dma2 semaphore(%run_scoped3A_85 : memref<!tpu.dma_semaphore, #tpu.memory_space<semaphore_mem>>) src(%dma_wait3A_93 : memref<208x128xf32, #tpu.memory_space<vmem_shared>>) dst(%dma_wait3A_91 : memref<208x128xf32, #tpu.memory_space<hbm>>)
        tpu.yield
      }) : () -> ()
    } else {
    }
    %eq3A_59 = arith.constant 15 : i32
    %eq3A_60 = arith.cmpi eq, %arg1, %eq3A_59 : i32
    %convert_element_type3A_61 = arith.extui %eq3A_60 : i1 to i32
    %cond3A_62 = arith.constant 0 : i32
    %cond3A_63 = arith.cmpi ne, %convert_element_type3A_61, %cond3A_62 : i32
    scf.if %cond3A_63 {
      %add3A_64 = arith.constant 0 : i32
      %add3A_65 = arith.addi %mul3A_0, %add3A_64 : i32
      %mul3A_66 = arith.constant 10000 : i32
      %mul3A_67 = arith.muli %arg0, %mul3A_66 : i32
      %add3A_68 = arith.addi %mul3A_67, %mul3A_0 : i32
      %add3A_69 = arith.constant 0 : i32
      %add3A_70 = arith.addi %add3A_68, %add3A_69 : i32
      "tpu.region"() ({
        %run_scoped3A_92 = tpu.sem_alloc : memref<!tpu.dma_semaphore, #tpu.memory_space<semaphore_mem>>
        %dma_start3A_93 = arith.constant 0 : i32
        %dma_start3A_94 = tpu.memref_slice %arg5[%add3A_70, %dma_start3A_93] : memref<20000x128xf32, #tpu.memory_space<hbm>> -> memref<208x128xf32, #tpu.memory_space<hbm>>
        %dma_start3A_95 = arith.constant 0 : i32
        %dma_start3A_96 = tpu.memref_slice %arg6[%add3A_65, %dma_start3A_95] : memref<10008x128xf32, #tpu.memory_space<vmem_shared>> -> memref<208x128xf32, #tpu.memory_space<vmem_shared>>
        tpu.enqueue_dma source(%dma_start3A_96 : memref<208x128xf32, #tpu.memory_space<vmem_shared>>) target(%dma_start3A_94 : memref<208x128xf32, #tpu.memory_space<hbm>>) target_semaphore(%run_scoped3A_92 : memref<!tpu.dma_semaphore, #tpu.memory_space<semaphore_mem>>)
        %dma_wait3A_97 = arith.constant 0 : i32
        %dma_wait3A_98 = tpu.memref_slice %arg5[%add3A_70, %dma_wait3A_97] : memref<20000x128xf32, #tpu.memory_space<hbm>> -> memref<208x128xf32, #tpu.memory_space<hbm>>
        %dma_wait3A_99 = arith.constant 0 : i32
        %dma_wait3A_100 = tpu.memref_slice %arg6[%add3A_65, %dma_wait3A_99] : memref<10008x128xf32, #tpu.memory_space<vmem_shared>> -> memref<208x128xf32, #tpu.memory_space<vmem_shared>>
        tpu.wait_dma2 semaphore(%run_scoped3A_92 : memref<!tpu.dma_semaphore, #tpu.memory_space<semaphore_mem>>) src(%dma_wait3A_100 : memref<208x128xf32, #tpu.memory_space<vmem_shared>>) dst(%dma_wait3A_98 : memref<208x128xf32, #tpu.memory_space<hbm>>)
        tpu.yield
      }) : () -> ()
      %add3A_71 = arith.constant 208 : i32
      %add3A_72 = arith.addi %mul3A_0, %add3A_71 : i32
      %mul3A_73 = arith.constant 10000 : i32
      %mul3A_74 = arith.muli %arg0, %mul3A_73 : i32
      %add3A_75 = arith.addi %mul3A_74, %mul3A_0 : i32
      %add3A_76 = arith.constant 208 : i32
      %add3A_77 = arith.addi %add3A_75, %add3A_76 : i32
      "tpu.region"() ({
        %run_scoped3A_92 = tpu.sem_alloc : memref<!tpu.dma_semaphore, #tpu.memory_space<semaphore_mem>>
        %dma_start3A_93 = arith.constant 0 : i32
        %dma_start3A_94 = tpu.memref_slice %arg5[%add3A_77, %dma_start3A_93] : memref<20000x128xf32, #tpu.memory_space<hbm>> -> memref<208x128xf32, #tpu.memory_space<hbm>>
        %dma_start3A_95 = arith.constant 0 : i32
        %dma_start3A_96 = tpu.memref_slice %arg6[%add3A_72, %dma_start3A_95] : memref<10008x128xf32, #tpu.memory_space<vmem_shared>> -> memref<208x128xf32, #tpu.memory_space<vmem_shared>>
        tpu.enqueue_dma source(%dma_start3A_96 : memref<208x128xf32, #tpu.memory_space<vmem_shared>>) target(%dma_start3A_94 : memref<208x128xf32, #tpu.memory_space<hbm>>) target_semaphore(%run_scoped3A_92 : memref<!tpu.dma_semaphore, #tpu.memory_space<semaphore_mem>>)
        %dma_wait3A_97 = arith.constant 0 : i32
        %dma_wait3A_98 = tpu.memref_slice %arg5[%add3A_77, %dma_wait3A_97] : memref<20000x128xf32, #tpu.memory_space<hbm>> -> memref<208x128xf32, #tpu.memory_space<hbm>>
        %dma_wait3A_99 = arith.constant 0 : i32
        %dma_wait3A_100 = tpu.memref_slice %arg6[%add3A_72, %dma_wait3A_99] : memref<10008x128xf32, #tpu.memory_space<vmem_shared>> -> memref<208x128xf32, #tpu.memory_space<vmem_shared>>
        tpu.wait_dma2 semaphore(%run_scoped3A_92 : memref<!tpu.dma_semaphore, #tpu.memory_space<semaphore_mem>>) src(%dma_wait3A_100 : memref<208x128xf32, #tpu.memory_space<vmem_shared>>) dst(%dma_wait3A_98 : memref<208x128xf32, #tpu.memory_space<hbm>>)
        tpu.yield
      }) : () -> ()
      %add3A_78 = arith.constant 416 : i32
      %add3A_79 = arith.addi %mul3A_0, %add3A_78 : i32
      %mul3A_80 = arith.constant 10000 : i32
      %mul3A_81 = arith.muli %arg0, %mul3A_80 : i32
      %add3A_82 = arith.addi %mul3A_81, %mul3A_0 : i32
      %add3A_83 = arith.constant 416 : i32
      %add3A_84 = arith.addi %add3A_82, %add3A_83 : i32
      "tpu.region"() ({
        %run_scoped3A_92 = tpu.sem_alloc : memref<!tpu.dma_semaphore, #tpu.memory_space<semaphore_mem>>
        %dma_start3A_93 = arith.constant 0 : i32
        %dma_start3A_94 = tpu.memref_slice %arg5[%add3A_84, %dma_start3A_93] : memref<20000x128xf32, #tpu.memory_space<hbm>> -> memref<208x128xf32, #tpu.memory_space<hbm>>
        %dma_start3A_95 = arith.constant 0 : i32
        %dma_start3A_96 = tpu.memref_slice %arg6[%add3A_79, %dma_start3A_95] : memref<10008x128xf32, #tpu.memory_space<vmem_shared>> -> memref<208x128xf32, #tpu.memory_space<vmem_shared>>
        tpu.enqueue_dma source(%dma_start3A_96 : memref<208x128xf32, #tpu.memory_space<vmem_shared>>) target(%dma_start3A_94 : memref<208x128xf32, #tpu.memory_space<hbm>>) target_semaphore(%run_scoped3A_92 : memref<!tpu.dma_semaphore, #tpu.memory_space<semaphore_mem>>)
        %dma_wait3A_97 = arith.constant 0 : i32
        %dma_wait3A_98 = tpu.memref_slice %arg5[%add3A_84, %dma_wait3A_97] : memref<20000x128xf32, #tpu.memory_space<hbm>> -> memref<208x128xf32, #tpu.memory_space<hbm>>
        %dma_wait3A_99 = arith.constant 0 : i32
        %dma_wait3A_100 = tpu.memref_slice %arg6[%add3A_79, %dma_wait3A_99] : memref<10008x128xf32, #tpu.memory_space<vmem_shared>> -> memref<208x128xf32, #tpu.memory_space<vmem_shared>>
        tpu.wait_dma2 semaphore(%run_scoped3A_92 : memref<!tpu.dma_semaphore, #tpu.memory_space<semaphore_mem>>) src(%dma_wait3A_100 : memref<208x128xf32, #tpu.memory_space<vmem_shared>>) dst(%dma_wait3A_98 : memref<208x128xf32, #tpu.memory_space<hbm>>)
        tpu.yield
      }) : () -> ()
      %add3A_85 = arith.constant 624 : i32
      %add3A_86 = arith.addi %mul3A_0, %add3A_85 : i32
      %mul3A_87 = arith.constant 10000 : i32
      %mul3A_88 = arith.muli %arg0, %mul3A_87 : i32
      %add3A_89 = arith.addi %mul3A_88, %mul3A_0 : i32
      %add3A_90 = arith.constant 624 : i32
      %add3A_91 = arith.addi %add3A_89, %add3A_90 : i32
      "tpu.region"() ({
        %run_scoped3A_92 = tpu.sem_alloc : memref<!tpu.dma_semaphore, #tpu.memory_space<semaphore_mem>>
        %dma_start3A_93 = arith.constant 0 : i32
        %dma_start3A_94 = tpu.memref_slice %arg5[%add3A_91, %dma_start3A_93] : memref<20000x128xf32, #tpu.memory_space<hbm>> -> memref<16x128xf32, #tpu.memory_space<hbm>>
        %dma_start3A_95 = arith.constant 0 : i32
        %dma_start3A_96 = tpu.memref_slice %arg6[%add3A_86, %dma_start3A_95] : memref<10008x128xf32, #tpu.memory_space<vmem_shared>> -> memref<16x128xf32, #tpu.memory_space<vmem_shared>>
        tpu.enqueue_dma source(%dma_start3A_96 : memref<16x128xf32, #tpu.memory_space<vmem_shared>>) target(%dma_start3A_94 : memref<16x128xf32, #tpu.memory_space<hbm>>) target_semaphore(%run_scoped3A_92 : memref<!tpu.dma_semaphore, #tpu.memory_space<semaphore_mem>>)
        %dma_wait3A_97 = arith.constant 0 : i32
        %dma_wait3A_98 = tpu.memref_slice %arg5[%add3A_91, %dma_wait3A_97] : memref<20000x128xf32, #tpu.memory_space<hbm>> -> memref<16x128xf32, #tpu.memory_space<hbm>>
        %dma_wait3A_99 = arith.constant 0 : i32
        %dma_wait3A_100 = tpu.memref_slice %arg6[%add3A_86, %dma_wait3A_99] : memref<10008x128xf32, #tpu.memory_space<vmem_shared>> -> memref<16x128xf32, #tpu.memory_space<vmem_shared>>
        tpu.wait_dma2 semaphore(%run_scoped3A_92 : memref<!tpu.dma_semaphore, #tpu.memory_space<semaphore_mem>>) src(%dma_wait3A_100 : memref<16x128xf32, #tpu.memory_space<vmem_shared>>) dst(%dma_wait3A_98 : memref<16x128xf32, #tpu.memory_space<hbm>>)
        tpu.yield
      }) : () -> ()
    } else {
    }
    return
  }
}

#map = affine_map<(d0, d1) -> (0, 0)>
#map1 = affine_map<(d0, d1) -> (0)>
module attributes {stable_mosaic.version = 14 : i64} {
  func.func @sc_sums(%arg0: i32, %arg1: i32, %arg2: memref<20000x128xf32, #tpu.memory_space<hbm>>, %arg3: memref<320000xi32, #tpu.memory_space<hbm>>, %arg4: memref<320000xi32, #tpu.memory_space<hbm>>, %arg5: memref<640x128xf32, #tpu.memory_space<hbm>>, %arg6: memref<20000x128xf32, #tpu.memory_space<hbm>>, %arg7: memref<10008x128xf32, #tpu.memory_space<vmem_shared>>, %arg8: memref<128xi32, #tpu.memory_space<vmem>>, %arg9: memref<128xi32, #tpu.memory_space<vmem>>, %arg10: memref<128xi32, #tpu.memory_space<vmem>>, %arg11: memref<128x128xf32, #tpu.memory_space<vmem>>, %arg12: memref<!tpu.dma_semaphore, #tpu.memory_space<semaphore_mem>>) attributes {dimension_semantics = [#tpu.dimension_semantics<core_parallel>, #tpu.dimension_semantics<subcore_parallel>], iteration_bounds = array<i64: 2, 16>, scalar_prefetch = 0 : i64, scratch_operands = 6 : i64, tpu.core_type = #tpu.core_type<sc_vector_subcore>, window_params = [{transform_indices = #map}, {transform_indices = #map1}, {transform_indices = #map1}, {transform_indices = #map}, {transform_indices = #map}]} {
    %mul3A = arith.constant 624 : i32
    %mul3A_0 = arith.muli %arg1, %mul3A : i32
    %mul3A_1 = arith.constant 10000 : i32
    %mul3A_2 = arith.muli %arg0, %mul3A_1 : i32
    %lt3A = arith.constant 15 : i32
    %lt3A_3 = arith.cmpi slt, %arg1, %lt3A : i32
    %convert_element_type3A = arith.extui %lt3A_3 : i1 to i32
    %cond3A = arith.constant 0 : i32
    %cond3A_4 = arith.cmpi ne, %convert_element_type3A, %cond3A : i32
    scf.if %cond3A_4 {
      %add3A_45 = arith.constant 0 : i32
      %add3A_46 = arith.addi %mul3A_0, %add3A_45 : i32
      "tpu.region"() ({
        %run_scoped3A = tpu.sem_alloc : memref<!tpu.dma_semaphore, #tpu.memory_space<semaphore_mem>>
        %dma_start3A = arith.constant 0 : i32
        %dma_start3A_51 = tpu.memref_slice %arg7[%add3A_46, %dma_start3A] : memref<10008x128xf32, #tpu.memory_space<vmem_shared>> -> memref<208x128xf32, #tpu.memory_space<vmem_shared>>
        %dma_start3A_52 = arith.constant 0 : i32
        %dma_start3A_53 = arith.constant 0 : i32
        %dma_start3A_54 = tpu.memref_slice %arg5[%dma_start3A_52, %dma_start3A_53] : memref<640x128xf32, #tpu.memory_space<hbm>> -> memref<208x128xf32, #tpu.memory_space<hbm>>
        tpu.enqueue_dma source(%dma_start3A_54 : memref<208x128xf32, #tpu.memory_space<hbm>>) target(%dma_start3A_51 : memref<208x128xf32, #tpu.memory_space<vmem_shared>>) target_semaphore(%run_scoped3A : memref<!tpu.dma_semaphore, #tpu.memory_space<semaphore_mem>>)
        %dma_wait3A = arith.constant 0 : i32
        %dma_wait3A_55 = tpu.memref_slice %arg7[%add3A_46, %dma_wait3A] : memref<10008x128xf32, #tpu.memory_space<vmem_shared>> -> memref<208x128xf32, #tpu.memory_space<vmem_shared>>
        %dma_wait3A_56 = arith.constant 0 : i32
        %dma_wait3A_57 = arith.constant 0 : i32
        %dma_wait3A_58 = tpu.memref_slice %arg5[%dma_wait3A_56, %dma_wait3A_57] : memref<640x128xf32, #tpu.memory_space<hbm>> -> memref<208x128xf32, #tpu.memory_space<hbm>>
        tpu.wait_dma2 semaphore(%run_scoped3A : memref<!tpu.dma_semaphore, #tpu.memory_space<semaphore_mem>>) src(%dma_wait3A_58 : memref<208x128xf32, #tpu.memory_space<hbm>>) dst(%dma_wait3A_55 : memref<208x128xf32, #tpu.memory_space<vmem_shared>>)
        tpu.yield
      }) : () -> ()
      %add3A_47 = arith.constant 208 : i32
      %add3A_48 = arith.addi %mul3A_0, %add3A_47 : i32
      "tpu.region"() ({
        %run_scoped3A = tpu.sem_alloc : memref<!tpu.dma_semaphore, #tpu.memory_space<semaphore_mem>>
        %dma_start3A = arith.constant 0 : i32
        %dma_start3A_51 = tpu.memref_slice %arg7[%add3A_48, %dma_start3A] : memref<10008x128xf32, #tpu.memory_space<vmem_shared>> -> memref<208x128xf32, #tpu.memory_space<vmem_shared>>
        %dma_start3A_52 = arith.constant 208 : i32
        %dma_start3A_53 = arith.constant 0 : i32
        %dma_start3A_54 = tpu.memref_slice %arg5[%dma_start3A_52, %dma_start3A_53] : memref<640x128xf32, #tpu.memory_space<hbm>> -> memref<208x128xf32, #tpu.memory_space<hbm>>
        tpu.enqueue_dma source(%dma_start3A_54 : memref<208x128xf32, #tpu.memory_space<hbm>>) target(%dma_start3A_51 : memref<208x128xf32, #tpu.memory_space<vmem_shared>>) target_semaphore(%run_scoped3A : memref<!tpu.dma_semaphore, #tpu.memory_space<semaphore_mem>>)
        %dma_wait3A = arith.constant 0 : i32
        %dma_wait3A_55 = tpu.memref_slice %arg7[%add3A_48, %dma_wait3A] : memref<10008x128xf32, #tpu.memory_space<vmem_shared>> -> memref<208x128xf32, #tpu.memory_space<vmem_shared>>
        %dma_wait3A_56 = arith.constant 208 : i32
        %dma_wait3A_57 = arith.constant 0 : i32
        %dma_wait3A_58 = tpu.memref_slice %arg5[%dma_wait3A_56, %dma_wait3A_57] : memref<640x128xf32, #tpu.memory_space<hbm>> -> memref<208x128xf32, #tpu.memory_space<hbm>>
        tpu.wait_dma2 semaphore(%run_scoped3A : memref<!tpu.dma_semaphore, #tpu.memory_space<semaphore_mem>>) src(%dma_wait3A_58 : memref<208x128xf32, #tpu.memory_space<hbm>>) dst(%dma_wait3A_55 : memref<208x128xf32, #tpu.memory_space<vmem_shared>>)
        tpu.yield
      }) : () -> ()
      %add3A_49 = arith.constant 416 : i32
      %add3A_50 = arith.addi %mul3A_0, %add3A_49 : i32
      "tpu.region"() ({
        %run_scoped3A = tpu.sem_alloc : memref<!tpu.dma_semaphore, #tpu.memory_space<semaphore_mem>>
        %dma_start3A = arith.constant 0 : i32
        %dma_start3A_51 = tpu.memref_slice %arg7[%add3A_50, %dma_start3A] : memref<10008x128xf32, #tpu.memory_space<vmem_shared>> -> memref<208x128xf32, #tpu.memory_space<vmem_shared>>
        %dma_start3A_52 = arith.constant 416 : i32
        %dma_start3A_53 = arith.constant 0 : i32
        %dma_start3A_54 = tpu.memref_slice %arg5[%dma_start3A_52, %dma_start3A_53] : memref<640x128xf32, #tpu.memory_space<hbm>> -> memref<208x128xf32, #tpu.memory_space<hbm>>
        tpu.enqueue_dma source(%dma_start3A_54 : memref<208x128xf32, #tpu.memory_space<hbm>>) target(%dma_start3A_51 : memref<208x128xf32, #tpu.memory_space<vmem_shared>>) target_semaphore(%run_scoped3A : memref<!tpu.dma_semaphore, #tpu.memory_space<semaphore_mem>>)
        %dma_wait3A = arith.constant 0 : i32
        %dma_wait3A_55 = tpu.memref_slice %arg7[%add3A_50, %dma_wait3A] : memref<10008x128xf32, #tpu.memory_space<vmem_shared>> -> memref<208x128xf32, #tpu.memory_space<vmem_shared>>
        %dma_wait3A_56 = arith.constant 416 : i32
        %dma_wait3A_57 = arith.constant 0 : i32
        %dma_wait3A_58 = tpu.memref_slice %arg5[%dma_wait3A_56, %dma_wait3A_57] : memref<640x128xf32, #tpu.memory_space<hbm>> -> memref<208x128xf32, #tpu.memory_space<hbm>>
        tpu.wait_dma2 semaphore(%run_scoped3A : memref<!tpu.dma_semaphore, #tpu.memory_space<semaphore_mem>>) src(%dma_wait3A_58 : memref<208x128xf32, #tpu.memory_space<hbm>>) dst(%dma_wait3A_55 : memref<208x128xf32, #tpu.memory_space<vmem_shared>>)
        tpu.yield
      }) : () -> ()
    } else {
    }
    %eq3A = arith.constant 15 : i32
    %eq3A_5 = arith.cmpi eq, %arg1, %eq3A : i32
    %convert_element_type3A_6 = arith.extui %eq3A_5 : i1 to i32
    %cond3A_7 = arith.constant 0 : i32
    %cond3A_8 = arith.cmpi ne, %convert_element_type3A_6, %cond3A_7 : i32
    scf.if %cond3A_8 {
      %add3A_45 = arith.constant 0 : i32
      %add3A_46 = arith.addi %mul3A_0, %add3A_45 : i32
      "tpu.region"() ({
        %run_scoped3A = tpu.sem_alloc : memref<!tpu.dma_semaphore, #tpu.memory_space<semaphore_mem>>
        %dma_start3A = arith.constant 0 : i32
        %dma_start3A_53 = tpu.memref_slice %arg7[%add3A_46, %dma_start3A] : memref<10008x128xf32, #tpu.memory_space<vmem_shared>> -> memref<208x128xf32, #tpu.memory_space<vmem_shared>>
        %dma_start3A_54 = arith.constant 0 : i32
        %dma_start3A_55 = arith.constant 0 : i32
        %dma_start3A_56 = tpu.memref_slice %arg5[%dma_start3A_54, %dma_start3A_55] : memref<640x128xf32, #tpu.memory_space<hbm>> -> memref<208x128xf32, #tpu.memory_space<hbm>>
        tpu.enqueue_dma source(%dma_start3A_56 : memref<208x128xf32, #tpu.memory_space<hbm>>) target(%dma_start3A_53 : memref<208x128xf32, #tpu.memory_space<vmem_shared>>) target_semaphore(%run_scoped3A : memref<!tpu.dma_semaphore, #tpu.memory_space<semaphore_mem>>)
        %dma_wait3A = arith.constant 0 : i32
        %dma_wait3A_57 = tpu.memref_slice %arg7[%add3A_46, %dma_wait3A] : memref<10008x128xf32, #tpu.memory_space<vmem_shared>> -> memref<208x128xf32, #tpu.memory_space<vmem_shared>>
        %dma_wait3A_58 = arith.constant 0 : i32
        %dma_wait3A_59 = arith.constant 0 : i32
        %dma_wait3A_60 = tpu.memref_slice %arg5[%dma_wait3A_58, %dma_wait3A_59] : memref<640x128xf32, #tpu.memory_space<hbm>> -> memref<208x128xf32, #tpu.memory_space<hbm>>
        tpu.wait_dma2 semaphore(%run_scoped3A : memref<!tpu.dma_semaphore, #tpu.memory_space<semaphore_mem>>) src(%dma_wait3A_60 : memref<208x128xf32, #tpu.memory_space<hbm>>) dst(%dma_wait3A_57 : memref<208x128xf32, #tpu.memory_space<vmem_shared>>)
        tpu.yield
      }) : () -> ()
      %add3A_47 = arith.constant 208 : i32
      %add3A_48 = arith.addi %mul3A_0, %add3A_47 : i32
      "tpu.region"() ({
        %run_scoped3A = tpu.sem_alloc : memref<!tpu.dma_semaphore, #tpu.memory_space<semaphore_mem>>
        %dma_start3A = arith.constant 0 : i32
        %dma_start3A_53 = tpu.memref_slice %arg7[%add3A_48, %dma_start3A] : memref<10008x128xf32, #tpu.memory_space<vmem_shared>> -> memref<208x128xf32, #tpu.memory_space<vmem_shared>>
        %dma_start3A_54 = arith.constant 208 : i32
        %dma_start3A_55 = arith.constant 0 : i32
        %dma_start3A_56 = tpu.memref_slice %arg5[%dma_start3A_54, %dma_start3A_55] : memref<640x128xf32, #tpu.memory_space<hbm>> -> memref<208x128xf32, #tpu.memory_space<hbm>>
        tpu.enqueue_dma source(%dma_start3A_56 : memref<208x128xf32, #tpu.memory_space<hbm>>) target(%dma_start3A_53 : memref<208x128xf32, #tpu.memory_space<vmem_shared>>) target_semaphore(%run_scoped3A : memref<!tpu.dma_semaphore, #tpu.memory_space<semaphore_mem>>)
        %dma_wait3A = arith.constant 0 : i32
        %dma_wait3A_57 = tpu.memref_slice %arg7[%add3A_48, %dma_wait3A] : memref<10008x128xf32, #tpu.memory_space<vmem_shared>> -> memref<208x128xf32, #tpu.memory_space<vmem_shared>>
        %dma_wait3A_58 = arith.constant 208 : i32
        %dma_wait3A_59 = arith.constant 0 : i32
        %dma_wait3A_60 = tpu.memref_slice %arg5[%dma_wait3A_58, %dma_wait3A_59] : memref<640x128xf32, #tpu.memory_space<hbm>> -> memref<208x128xf32, #tpu.memory_space<hbm>>
        tpu.wait_dma2 semaphore(%run_scoped3A : memref<!tpu.dma_semaphore, #tpu.memory_space<semaphore_mem>>) src(%dma_wait3A_60 : memref<208x128xf32, #tpu.memory_space<hbm>>) dst(%dma_wait3A_57 : memref<208x128xf32, #tpu.memory_space<vmem_shared>>)
        tpu.yield
      }) : () -> ()
      %add3A_49 = arith.constant 416 : i32
      %add3A_50 = arith.addi %mul3A_0, %add3A_49 : i32
      "tpu.region"() ({
        %run_scoped3A = tpu.sem_alloc : memref<!tpu.dma_semaphore, #tpu.memory_space<semaphore_mem>>
        %dma_start3A = arith.constant 0 : i32
        %dma_start3A_53 = tpu.memref_slice %arg7[%add3A_50, %dma_start3A] : memref<10008x128xf32, #tpu.memory_space<vmem_shared>> -> memref<208x128xf32, #tpu.memory_space<vmem_shared>>
        %dma_start3A_54 = arith.constant 416 : i32
        %dma_start3A_55 = arith.constant 0 : i32
        %dma_start3A_56 = tpu.memref_slice %arg5[%dma_start3A_54, %dma_start3A_55] : memref<640x128xf32, #tpu.memory_space<hbm>> -> memref<208x128xf32, #tpu.memory_space<hbm>>
        tpu.enqueue_dma source(%dma_start3A_56 : memref<208x128xf32, #tpu.memory_space<hbm>>) target(%dma_start3A_53 : memref<208x128xf32, #tpu.memory_space<vmem_shared>>) target_semaphore(%run_scoped3A : memref<!tpu.dma_semaphore, #tpu.memory_space<semaphore_mem>>)
        %dma_wait3A = arith.constant 0 : i32
        %dma_wait3A_57 = tpu.memref_slice %arg7[%add3A_50, %dma_wait3A] : memref<10008x128xf32, #tpu.memory_space<vmem_shared>> -> memref<208x128xf32, #tpu.memory_space<vmem_shared>>
        %dma_wait3A_58 = arith.constant 416 : i32
        %dma_wait3A_59 = arith.constant 0 : i32
        %dma_wait3A_60 = tpu.memref_slice %arg5[%dma_wait3A_58, %dma_wait3A_59] : memref<640x128xf32, #tpu.memory_space<hbm>> -> memref<208x128xf32, #tpu.memory_space<hbm>>
        tpu.wait_dma2 semaphore(%run_scoped3A : memref<!tpu.dma_semaphore, #tpu.memory_space<semaphore_mem>>) src(%dma_wait3A_60 : memref<208x128xf32, #tpu.memory_space<hbm>>) dst(%dma_wait3A_57 : memref<208x128xf32, #tpu.memory_space<vmem_shared>>)
        tpu.yield
      }) : () -> ()
      %add3A_51 = arith.constant 624 : i32
      %add3A_52 = arith.addi %mul3A_0, %add3A_51 : i32
      "tpu.region"() ({
        %run_scoped3A = tpu.sem_alloc : memref<!tpu.dma_semaphore, #tpu.memory_space<semaphore_mem>>
        %dma_start3A = arith.constant 0 : i32
        %dma_start3A_53 = tpu.memref_slice %arg7[%add3A_52, %dma_start3A] : memref<10008x128xf32, #tpu.memory_space<vmem_shared>> -> memref<16x128xf32, #tpu.memory_space<vmem_shared>>
        %dma_start3A_54 = arith.constant 624 : i32
        %dma_start3A_55 = arith.constant 0 : i32
        %dma_start3A_56 = tpu.memref_slice %arg5[%dma_start3A_54, %dma_start3A_55] : memref<640x128xf32, #tpu.memory_space<hbm>> -> memref<16x128xf32, #tpu.memory_space<hbm>>
        tpu.enqueue_dma source(%dma_start3A_56 : memref<16x128xf32, #tpu.memory_space<hbm>>) target(%dma_start3A_53 : memref<16x128xf32, #tpu.memory_space<vmem_shared>>) target_semaphore(%run_scoped3A : memref<!tpu.dma_semaphore, #tpu.memory_space<semaphore_mem>>)
        %dma_wait3A = arith.constant 0 : i32
        %dma_wait3A_57 = tpu.memref_slice %arg7[%add3A_52, %dma_wait3A] : memref<10008x128xf32, #tpu.memory_space<vmem_shared>> -> memref<16x128xf32, #tpu.memory_space<vmem_shared>>
        %dma_wait3A_58 = arith.constant 624 : i32
        %dma_wait3A_59 = arith.constant 0 : i32
        %dma_wait3A_60 = tpu.memref_slice %arg5[%dma_wait3A_58, %dma_wait3A_59] : memref<640x128xf32, #tpu.memory_space<hbm>> -> memref<16x128xf32, #tpu.memory_space<hbm>>
        tpu.wait_dma2 semaphore(%run_scoped3A : memref<!tpu.dma_semaphore, #tpu.memory_space<semaphore_mem>>) src(%dma_wait3A_60 : memref<16x128xf32, #tpu.memory_space<hbm>>) dst(%dma_wait3A_57 : memref<16x128xf32, #tpu.memory_space<vmem_shared>>)
        tpu.yield
      }) : () -> ()
    } else {
    }
    %eq3A_9 = arith.constant 0 : i32
    %eq3A_10 = arith.cmpi eq, %arg1, %eq3A_9 : i32
    %convert_element_type3A_11 = arith.extui %eq3A_10 : i1 to i32
    %cond3A_12 = arith.constant 0 : i32
    %cond3A_13 = arith.cmpi ne, %convert_element_type3A_11, %cond3A_12 : i32
    scf.if %cond3A_13 {
      "tpu.region"() ({
        %run_scoped3A = tpu.sem_alloc : memref<!tpu.dma_semaphore, #tpu.memory_space<semaphore_mem>>
        %dma_start3A = arith.constant 10000 : i32
        %dma_start3A_45 = arith.constant 0 : i32
        %dma_start3A_46 = tpu.memref_slice %arg7[%dma_start3A, %dma_start3A_45] : memref<10008x128xf32, #tpu.memory_space<vmem_shared>> -> memref<8x128xf32, #tpu.memory_space<vmem_shared>>
        %dma_start3A_47 = arith.constant 0 : i32
        %dma_start3A_48 = arith.constant 0 : i32
        %dma_start3A_49 = tpu.memref_slice %arg5[%dma_start3A_47, %dma_start3A_48] : memref<640x128xf32, #tpu.memory_space<hbm>> -> memref<8x128xf32, #tpu.memory_space<hbm>>
        tpu.enqueue_dma source(%dma_start3A_49 : memref<8x128xf32, #tpu.memory_space<hbm>>) target(%dma_start3A_46 : memref<8x128xf32, #tpu.memory_space<vmem_shared>>) target_semaphore(%run_scoped3A : memref<!tpu.dma_semaphore, #tpu.memory_space<semaphore_mem>>)
        %dma_wait3A = arith.constant 10000 : i32
        %dma_wait3A_50 = arith.constant 0 : i32
        %dma_wait3A_51 = tpu.memref_slice %arg7[%dma_wait3A, %dma_wait3A_50] : memref<10008x128xf32, #tpu.memory_space<vmem_shared>> -> memref<8x128xf32, #tpu.memory_space<vmem_shared>>
        %dma_wait3A_52 = arith.constant 0 : i32
        %dma_wait3A_53 = arith.constant 0 : i32
        %dma_wait3A_54 = tpu.memref_slice %arg5[%dma_wait3A_52, %dma_wait3A_53] : memref<640x128xf32, #tpu.memory_space<hbm>> -> memref<8x128xf32, #tpu.memory_space<hbm>>
        tpu.wait_dma2 semaphore(%run_scoped3A : memref<!tpu.dma_semaphore, #tpu.memory_space<semaphore_mem>>) src(%dma_wait3A_54 : memref<8x128xf32, #tpu.memory_space<hbm>>) dst(%dma_wait3A_51 : memref<8x128xf32, #tpu.memory_space<vmem_shared>>)
        tpu.yield
      }) : () -> ()
    } else {
    }
    %barrier3A = arith.constant 0 : index
    tpu.barrier barrier_id(%barrier3A)
    %lt3A_14 = arith.constant 4 : i32
    %lt3A_15 = arith.cmpi slt, %arg1, %lt3A_14 : i32
    %convert_element_type3A_16 = arith.extui %lt3A_15 : i1 to i32
    %add3A = arith.constant 156 : i32
    %add3A_17 = arith.addi %add3A, %convert_element_type3A_16 : i32
    %sub3A = arith.constant 0 : i32
    %sub3A_18 = arith.subi %add3A_17, %sub3A : i32
    %sub3A_19 = arith.constant 1 : i32
    %sub3A_20 = arith.constant 1 : i32
    %sub3A_21 = arith.subi %sub3A_19, %sub3A_20 : i32
    %add3A_22 = arith.addi %sub3A_18, %sub3A_21 : i32
    %div3A = arith.constant 1 : i32
    %div3A_23 = arith.divsi %add3A_22, %div3A : i32
    %while3A = arith.constant 1 : i32
    %while3A_24 = arith.constant 0 : i32
    %while3A_25 = arith.constant 0 : i32
    %while3A_26 = arith.subi %div3A_23, %while3A_25 : i32
    %while3A_27 = arith.addi %while3A_25, %while3A_26 : i32
    %while3A_28 = arith.constant 1 : i32
    %while3A_29 = arith.divsi %while3A_26, %while3A_28 : i32
    %while3A_30 = arith.muli %while3A_29, %while3A_28 : i32
    %while3A_31 = arith.addi %while3A_25, %while3A_30 : i32
    %while3A_32 = arith.constant 1 : i32
    scf.for %while3A_45 = %while3A_25 to %while3A_31 step %while3A_32  : i32 {
      %mul3A_46 = arith.muli %while3A_45, %while3A : i32
      %add3A_47 = arith.addi %while3A_24, %mul3A_46 : i32
      %mul3A_48 = arith.constant 16 : i32
      %mul3A_49 = arith.muli %mul3A_48, %add3A_47 : i32
      %add3A_50 = arith.addi %arg1, %mul3A_49 : i32
      %mul3A_51 = arith.constant 128 : i32
      %mul3A_52 = arith.muli %add3A_50, %mul3A_51 : i32
      "tpu.region"() ({
        %run_scoped3A = tpu.sem_alloc : memref<!tpu.dma_semaphore, #tpu.memory_space<semaphore_mem>>
        %dma_start3A_127 = tpu.memref_slice %arg3[%mul3A_52] : memref<320000xi32, #tpu.memory_space<hbm>> -> memref<128xi32, #tpu.memory_space<hbm>>
        %dma_start3A_128 = tpu.memref_slice %arg3[%mul3A_52] : memref<320000xi32, #tpu.memory_space<hbm>> -> memref<128xi32, #tpu.memory_space<hbm>>
        tpu.enqueue_dma source(%dma_start3A_128 : memref<128xi32, #tpu.memory_space<hbm>>) target(%arg8 : memref<128xi32, #tpu.memory_space<vmem>>) target_semaphore(%run_scoped3A : memref<!tpu.dma_semaphore, #tpu.memory_space<semaphore_mem>>)
        %dma_wait3A_129 = tpu.memref_slice %arg3[%mul3A_52] : memref<320000xi32, #tpu.memory_space<hbm>> -> memref<128xi32, #tpu.memory_space<hbm>>
        %dma_wait3A_130 = tpu.memref_slice %arg3[%mul3A_52] : memref<320000xi32, #tpu.memory_space<hbm>> -> memref<128xi32, #tpu.memory_space<hbm>>
        tpu.wait_dma2 semaphore(%run_scoped3A : memref<!tpu.dma_semaphore, #tpu.memory_space<semaphore_mem>>) src(%dma_wait3A_130 : memref<128xi32, #tpu.memory_space<hbm>>) dst(%arg8 : memref<128xi32, #tpu.memory_space<vmem>>)
        tpu.yield
      }) : () -> ()
      "tpu.region"() ({
        %run_scoped3A = tpu.sem_alloc : memref<!tpu.dma_semaphore, #tpu.memory_space<semaphore_mem>>
        %dma_start3A_127 = tpu.memref_slice %arg4[%mul3A_52] : memref<320000xi32, #tpu.memory_space<hbm>> -> memref<128xi32, #tpu.memory_space<hbm>>
        %dma_start3A_128 = tpu.memref_slice %arg4[%mul3A_52] : memref<320000xi32, #tpu.memory_space<hbm>> -> memref<128xi32, #tpu.memory_space<hbm>>
        tpu.enqueue_dma source(%dma_start3A_128 : memref<128xi32, #tpu.memory_space<hbm>>) target(%arg10 : memref<128xi32, #tpu.memory_space<vmem>>) target_semaphore(%run_scoped3A : memref<!tpu.dma_semaphore, #tpu.memory_space<semaphore_mem>>)
        %dma_wait3A_129 = tpu.memref_slice %arg4[%mul3A_52] : memref<320000xi32, #tpu.memory_space<hbm>> -> memref<128xi32, #tpu.memory_space<hbm>>
        %dma_wait3A_130 = tpu.memref_slice %arg4[%mul3A_52] : memref<320000xi32, #tpu.memory_space<hbm>> -> memref<128xi32, #tpu.memory_space<hbm>>
        tpu.wait_dma2 semaphore(%run_scoped3A : memref<!tpu.dma_semaphore, #tpu.memory_space<semaphore_mem>>) src(%dma_wait3A_130 : memref<128xi32, #tpu.memory_space<hbm>>) dst(%arg10 : memref<128xi32, #tpu.memory_space<vmem>>)
        tpu.yield
      }) : () -> ()
      %get3A = arith.constant 0 : index
      %get3A_53 = tpu.vector_load %arg8[%get3A] {strides = array<i32>} : memref<128xi32, #tpu.memory_space<vmem>>, vector<16xi32>,
      %get3A_54 = vector.shape_cast %get3A_53 : vector<16xi32> to vector<16xi32>
      %add3A_55 = vector.broadcast %mul3A_2 : i32 to vector<16xi32>
      %add3A_56 = arith.addi %get3A_54, %add3A_55 : vector<16xi32>
      %swap3A = arith.constant 0 : index
      %swap3A_57 = tpu.vector_load %arg9[%swap3A] {strides = array<i32>} : memref<128xi32, #tpu.memory_space<vmem>>, vector<16xi32>,
      %swap3A_58 = vector.shape_cast %swap3A_57 : vector<16xi32> to vector<16xi32>
      %swap3A_59 = vector.shape_cast %add3A_56 : vector<16xi32> to vector<16xi32>
      tpu.vector_store %arg9[%swap3A], %swap3A_59 {strides = array<i32>} : memref<128xi32, #tpu.memory_space<vmem>>, vector<16xi32>,
      %get3A_60 = arith.constant 16 : index
      %get3A_61 = tpu.vector_load %arg8[%get3A_60] {strides = array<i32>} : memref<128xi32, #tpu.memory_space<vmem>>, vector<16xi32>,
      %get3A_62 = vector.shape_cast %get3A_61 : vector<16xi32> to vector<16xi32>
      %add3A_63 = vector.broadcast %mul3A_2 : i32 to vector<16xi32>
      %add3A_64 = arith.addi %get3A_62, %add3A_63 : vector<16xi32>
      %swap3A_65 = arith.constant 16 : index
      %swap3A_66 = tpu.vector_load %arg9[%swap3A_65] {strides = array<i32>} : memref<128xi32, #tpu.memory_space<vmem>>, vector<16xi32>,
      %swap3A_67 = vector.shape_cast %swap3A_66 : vector<16xi32> to vector<16xi32>
      %swap3A_68 = vector.shape_cast %add3A_64 : vector<16xi32> to vector<16xi32>
      tpu.vector_store %arg9[%swap3A_65], %swap3A_68 {strides = array<i32>} : memref<128xi32, #tpu.memory_space<vmem>>, vector<16xi32>,
      %get3A_69 = arith.constant 32 : index
      %get3A_70 = tpu.vector_load %arg8[%get3A_69] {strides = array<i32>} : memref<128xi32, #tpu.memory_space<vmem>>, vector<16xi32>,
      %get3A_71 = vector.shape_cast %get3A_70 : vector<16xi32> to vector<16xi32>
      %add3A_72 = vector.broadcast %mul3A_2 : i32 to vector<16xi32>
      %add3A_73 = arith.addi %get3A_71, %add3A_72 : vector<16xi32>
      %swap3A_74 = arith.constant 32 : index
      %swap3A_75 = tpu.vector_load %arg9[%swap3A_74] {strides = array<i32>} : memref<128xi32, #tpu.memory_space<vmem>>, vector<16xi32>,
      %swap3A_76 = vector.shape_cast %swap3A_75 : vector<16xi32> to vector<16xi32>
      %swap3A_77 = vector.shape_cast %add3A_73 : vector<16xi32> to vector<16xi32>
      tpu.vector_store %arg9[%swap3A_74], %swap3A_77 {strides = array<i32>} : memref<128xi32, #tpu.memory_space<vmem>>, vector<16xi32>,
      %get3A_78 = arith.constant 48 : index
      %get3A_79 = tpu.vector_load %arg8[%get3A_78] {strides = array<i32>} : memref<128xi32, #tpu.memory_space<vmem>>, vector<16xi32>,
      %get3A_80 = vector.shape_cast %get3A_79 : vector<16xi32> to vector<16xi32>
      %add3A_81 = vector.broadcast %mul3A_2 : i32 to vector<16xi32>
      %add3A_82 = arith.addi %get3A_80, %add3A_81 : vector<16xi32>
      %swap3A_83 = arith.constant 48 : index
      %swap3A_84 = tpu.vector_load %arg9[%swap3A_83] {strides = array<i32>} : memref<128xi32, #tpu.memory_space<vmem>>, vector<16xi32>,
      %swap3A_85 = vector.shape_cast %swap3A_84 : vector<16xi32> to vector<16xi32>
      %swap3A_86 = vector.shape_cast %add3A_82 : vector<16xi32> to vector<16xi32>
      tpu.vector_store %arg9[%swap3A_83], %swap3A_86 {strides = array<i32>} : memref<128xi32, #tpu.memory_space<vmem>>, vector<16xi32>,
      %get3A_87 = arith.constant 64 : index
      %get3A_88 = tpu.vector_load %arg8[%get3A_87] {strides = array<i32>} : memref<128xi32, #tpu.memory_space<vmem>>, vector<16xi32>,
      %get3A_89 = vector.shape_cast %get3A_88 : vector<16xi32> to vector<16xi32>
      %add3A_90 = vector.broadcast %mul3A_2 : i32 to vector<16xi32>
      %add3A_91 = arith.addi %get3A_89, %add3A_90 : vector<16xi32>
      %swap3A_92 = arith.constant 64 : index
      %swap3A_93 = tpu.vector_load %arg9[%swap3A_92] {strides = array<i32>} : memref<128xi32, #tpu.memory_space<vmem>>, vector<16xi32>,
      %swap3A_94 = vector.shape_cast %swap3A_93 : vector<16xi32> to vector<16xi32>
      %swap3A_95 = vector.shape_cast %add3A_91 : vector<16xi32> to vector<16xi32>
      tpu.vector_store %arg9[%swap3A_92], %swap3A_95 {strides = array<i32>} : memref<128xi32, #tpu.memory_space<vmem>>, vector<16xi32>,
      %get3A_96 = arith.constant 80 : index
      %get3A_97 = tpu.vector_load %arg8[%get3A_96] {strides = array<i32>} : memref<128xi32, #tpu.memory_space<vmem>>, vector<16xi32>,
      %get3A_98 = vector.shape_cast %get3A_97 : vector<16xi32> to vector<16xi32>
      %add3A_99 = vector.broadcast %mul3A_2 : i32 to vector<16xi32>
      %add3A_100 = arith.addi %get3A_98, %add3A_99 : vector<16xi32>
      %swap3A_101 = arith.constant 80 : index
      %swap3A_102 = tpu.vector_load %arg9[%swap3A_101] {strides = array<i32>} : memref<128xi32, #tpu.memory_space<vmem>>, vector<16xi32>,
      %swap3A_103 = vector.shape_cast %swap3A_102 : vector<16xi32> to vector<16xi32>
      %swap3A_104 = vector.shape_cast %add3A_100 : vector<16xi32> to vector<16xi32>
      tpu.vector_store %arg9[%swap3A_101], %swap3A_104 {strides = array<i32>} : memref<128xi32, #tpu.memory_space<vmem>>, vector<16xi32>,
      %get3A_105 = arith.constant 96 : index
      %get3A_106 = tpu.vector_load %arg8[%get3A_105] {strides = array<i32>} : memref<128xi32, #tpu.memory_space<vmem>>, vector<16xi32>,
      %get3A_107 = vector.shape_cast %get3A_106 : vector<16xi32> to vector<16xi32>
      %add3A_108 = vector.broadcast %mul3A_2 : i32 to vector<16xi32>
      %add3A_109 = arith.addi %get3A_107, %add3A_108 : vector<16xi32>
      %swap3A_110 = arith.constant 96 : index
      %swap3A_111 = tpu.vector_load %arg9[%swap3A_110] {strides = array<i32>} : memref<128xi32, #tpu.memory_space<vmem>>, vector<16xi32>,
      %swap3A_112 = vector.shape_cast %swap3A_111 : vector<16xi32> to vector<16xi32>
      %swap3A_113 = vector.shape_cast %add3A_109 : vector<16xi32> to vector<16xi32>
      tpu.vector_store %arg9[%swap3A_110], %swap3A_113 {strides = array<i32>} : memref<128xi32, #tpu.memory_space<vmem>>, vector<16xi32>,
      %get3A_114 = arith.constant 112 : index
      %get3A_115 = tpu.vector_load %arg8[%get3A_114] {strides = array<i32>} : memref<128xi32, #tpu.memory_space<vmem>>, vector<16xi32>,
      %get3A_116 = vector.shape_cast %get3A_115 : vector<16xi32> to vector<16xi32>
      %add3A_117 = vector.broadcast %mul3A_2 : i32 to vector<16xi32>
      %add3A_118 = arith.addi %get3A_116, %add3A_117 : vector<16xi32>
      %swap3A_119 = arith.constant 112 : index
      %swap3A_120 = tpu.vector_load %arg9[%swap3A_119] {strides = array<i32>} : memref<128xi32, #tpu.memory_space<vmem>>, vector<16xi32>,
      %swap3A_121 = vector.shape_cast %swap3A_120 : vector<16xi32> to vector<16xi32>
      %swap3A_122 = vector.shape_cast %add3A_118 : vector<16xi32> to vector<16xi32>
      tpu.vector_store %arg9[%swap3A_119], %swap3A_122 {strides = array<i32>} : memref<128xi32, #tpu.memory_space<vmem>>, vector<16xi32>,
      %dma_start3A = arith.constant 0 : i32
      %dma_start3A_123 = arith.constant 0 : i32
      %dma_start3A_124 = tpu.memref_slice %arg2[%dma_start3A, %dma_start3A_123] : memref<20000x128xf32, #tpu.memory_space<hbm>> -> memref<20000x128xf32, #tpu.memory_space<hbm>>
      tpu.enqueue_indirect_dma source(%dma_start3A_124 : memref<20000x128xf32, #tpu.memory_space<hbm>>) target(%arg11 : memref<128x128xf32, #tpu.memory_space<vmem>>) offsets(%arg9 : memref<128xi32, #tpu.memory_space<vmem>>) semaphore(%arg12 : memref<!tpu.dma_semaphore, #tpu.memory_space<semaphore_mem>>)
      %dma_wait3A = arith.constant 0 : i32
      %dma_wait3A_125 = arith.constant 0 : i32
      %dma_wait3A_126 = tpu.memref_slice %arg2[%dma_wait3A, %dma_wait3A_125] : memref<20000x128xf32, #tpu.memory_space<hbm>> -> memref<20000x128xf32, #tpu.memory_space<hbm>>
      tpu.wait_indirect_dma semaphore(%arg12 : memref<!tpu.dma_semaphore, #tpu.memory_space<semaphore_mem>>) src(%dma_wait3A_126 : memref<20000x128xf32, #tpu.memory_space<hbm>>) dst(%arg11 : memref<128x128xf32, #tpu.memory_space<vmem>>)
      "tpu.region"() ({
        %run_scoped3A = tpu.sem_alloc : memref<!tpu.dma_semaphore, #tpu.memory_space<semaphore_mem>>
        %dma_start3A_127 = arith.constant 0 : i32
        %dma_start3A_128 = arith.constant 0 : i32
        %dma_start3A_129 = tpu.memref_slice %arg7[%dma_start3A_127, %dma_start3A_128] : memref<10008x128xf32, #tpu.memory_space<vmem_shared>> -> memref<10008x128xf32, #tpu.memory_space<vmem_shared>>
        tpu.enqueue_indirect_dma source(%arg11 : memref<128x128xf32, #tpu.memory_space<vmem>>) target(%dma_start3A_129 : memref<10008x128xf32, #tpu.memory_space<vmem_shared>>) offsets(%arg10 : memref<128xi32, #tpu.memory_space<vmem>>) semaphore(%run_scoped3A : memref<!tpu.dma_semaphore, #tpu.memory_space<semaphore_mem>>) {add = true}
        %dma_wait3A_130 = arith.constant 0 : i32
        %dma_wait3A_131 = arith.constant 0 : i32
        %dma_wait3A_132 = tpu.memref_slice %arg7[%dma_wait3A_130, %dma_wait3A_131] : memref<10008x128xf32, #tpu.memory_space<vmem_shared>> -> memref<10008x128xf32, #tpu.memory_space<vmem_shared>>
        tpu.wait_indirect_dma semaphore(%run_scoped3A : memref<!tpu.dma_semaphore, #tpu.memory_space<semaphore_mem>>) src(%arg11 : memref<128x128xf32, #tpu.memory_space<vmem>>) dst(%dma_wait3A_132 : memref<10008x128xf32, #tpu.memory_space<vmem_shared>>)
        tpu.yield
      }) : () -> ()
    }
    %while3A_33 = arith.constant 1 : i32
    scf.for %while3A_45 = %while3A_31 to %while3A_27 step %while3A_33  : i32 {
      %mul3A_46 = arith.muli %while3A_45, %while3A : i32
      %add3A_47 = arith.addi %while3A_24, %mul3A_46 : i32
      %mul3A_48 = arith.constant 16 : i32
      %mul3A_49 = arith.muli %mul3A_48, %add3A_47 : i32
      %add3A_50 = arith.addi %arg1, %mul3A_49 : i32
      %mul3A_51 = arith.constant 128 : i32
      %mul3A_52 = arith.muli %add3A_50, %mul3A_51 : i32
      "tpu.region"() ({
        %run_scoped3A = tpu.sem_alloc : memref<!tpu.dma_semaphore, #tpu.memory_space<semaphore_mem>>
        %dma_start3A_127 = tpu.memref_slice %arg3[%mul3A_52] : memref<320000xi32, #tpu.memory_space<hbm>> -> memref<128xi32, #tpu.memory_space<hbm>>
        %dma_start3A_128 = tpu.memref_slice %arg3[%mul3A_52] : memref<320000xi32, #tpu.memory_space<hbm>> -> memref<128xi32, #tpu.memory_space<hbm>>
        tpu.enqueue_dma source(%dma_start3A_128 : memref<128xi32, #tpu.memory_space<hbm>>) target(%arg8 : memref<128xi32, #tpu.memory_space<vmem>>) target_semaphore(%run_scoped3A : memref<!tpu.dma_semaphore, #tpu.memory_space<semaphore_mem>>)
        %dma_wait3A_129 = tpu.memref_slice %arg3[%mul3A_52] : memref<320000xi32, #tpu.memory_space<hbm>> -> memref<128xi32, #tpu.memory_space<hbm>>
        %dma_wait3A_130 = tpu.memref_slice %arg3[%mul3A_52] : memref<320000xi32, #tpu.memory_space<hbm>> -> memref<128xi32, #tpu.memory_space<hbm>>
        tpu.wait_dma2 semaphore(%run_scoped3A : memref<!tpu.dma_semaphore, #tpu.memory_space<semaphore_mem>>) src(%dma_wait3A_130 : memref<128xi32, #tpu.memory_space<hbm>>) dst(%arg8 : memref<128xi32, #tpu.memory_space<vmem>>)
        tpu.yield
      }) : () -> ()
      "tpu.region"() ({
        %run_scoped3A = tpu.sem_alloc : memref<!tpu.dma_semaphore, #tpu.memory_space<semaphore_mem>>
        %dma_start3A_127 = tpu.memref_slice %arg4[%mul3A_52] : memref<320000xi32, #tpu.memory_space<hbm>> -> memref<128xi32, #tpu.memory_space<hbm>>
        %dma_start3A_128 = tpu.memref_slice %arg4[%mul3A_52] : memref<320000xi32, #tpu.memory_space<hbm>> -> memref<128xi32, #tpu.memory_space<hbm>>
        tpu.enqueue_dma source(%dma_start3A_128 : memref<128xi32, #tpu.memory_space<hbm>>) target(%arg10 : memref<128xi32, #tpu.memory_space<vmem>>) target_semaphore(%run_scoped3A : memref<!tpu.dma_semaphore, #tpu.memory_space<semaphore_mem>>)
        %dma_wait3A_129 = tpu.memref_slice %arg4[%mul3A_52] : memref<320000xi32, #tpu.memory_space<hbm>> -> memref<128xi32, #tpu.memory_space<hbm>>
        %dma_wait3A_130 = tpu.memref_slice %arg4[%mul3A_52] : memref<320000xi32, #tpu.memory_space<hbm>> -> memref<128xi32, #tpu.memory_space<hbm>>
        tpu.wait_dma2 semaphore(%run_scoped3A : memref<!tpu.dma_semaphore, #tpu.memory_space<semaphore_mem>>) src(%dma_wait3A_130 : memref<128xi32, #tpu.memory_space<hbm>>) dst(%arg10 : memref<128xi32, #tpu.memory_space<vmem>>)
        tpu.yield
      }) : () -> ()
      %get3A = arith.constant 0 : index
      %get3A_53 = tpu.vector_load %arg8[%get3A] {strides = array<i32>} : memref<128xi32, #tpu.memory_space<vmem>>, vector<16xi32>,
      %get3A_54 = vector.shape_cast %get3A_53 : vector<16xi32> to vector<16xi32>
      %add3A_55 = vector.broadcast %mul3A_2 : i32 to vector<16xi32>
      %add3A_56 = arith.addi %get3A_54, %add3A_55 : vector<16xi32>
      %swap3A = arith.constant 0 : index
      %swap3A_57 = tpu.vector_load %arg9[%swap3A] {strides = array<i32>} : memref<128xi32, #tpu.memory_space<vmem>>, vector<16xi32>,
      %swap3A_58 = vector.shape_cast %swap3A_57 : vector<16xi32> to vector<16xi32>
      %swap3A_59 = vector.shape_cast %add3A_56 : vector<16xi32> to vector<16xi32>
      tpu.vector_store %arg9[%swap3A], %swap3A_59 {strides = array<i32>} : memref<128xi32, #tpu.memory_space<vmem>>, vector<16xi32>,
      %get3A_60 = arith.constant 16 : index
      %get3A_61 = tpu.vector_load %arg8[%get3A_60] {strides = array<i32>} : memref<128xi32, #tpu.memory_space<vmem>>, vector<16xi32>,
      %get3A_62 = vector.shape_cast %get3A_61 : vector<16xi32> to vector<16xi32>
      %add3A_63 = vector.broadcast %mul3A_2 : i32 to vector<16xi32>
      %add3A_64 = arith.addi %get3A_62, %add3A_63 : vector<16xi32>
      %swap3A_65 = arith.constant 16 : index
      %swap3A_66 = tpu.vector_load %arg9[%swap3A_65] {strides = array<i32>} : memref<128xi32, #tpu.memory_space<vmem>>, vector<16xi32>,
      %swap3A_67 = vector.shape_cast %swap3A_66 : vector<16xi32> to vector<16xi32>
      %swap3A_68 = vector.shape_cast %add3A_64 : vector<16xi32> to vector<16xi32>
      tpu.vector_store %arg9[%swap3A_65], %swap3A_68 {strides = array<i32>} : memref<128xi32, #tpu.memory_space<vmem>>, vector<16xi32>,
      %get3A_69 = arith.constant 32 : index
      %get3A_70 = tpu.vector_load %arg8[%get3A_69] {strides = array<i32>} : memref<128xi32, #tpu.memory_space<vmem>>, vector<16xi32>,
      %get3A_71 = vector.shape_cast %get3A_70 : vector<16xi32> to vector<16xi32>
      %add3A_72 = vector.broadcast %mul3A_2 : i32 to vector<16xi32>
      %add3A_73 = arith.addi %get3A_71, %add3A_72 : vector<16xi32>
      %swap3A_74 = arith.constant 32 : index
      %swap3A_75 = tpu.vector_load %arg9[%swap3A_74] {strides = array<i32>} : memref<128xi32, #tpu.memory_space<vmem>>, vector<16xi32>,
      %swap3A_76 = vector.shape_cast %swap3A_75 : vector<16xi32> to vector<16xi32>
      %swap3A_77 = vector.shape_cast %add3A_73 : vector<16xi32> to vector<16xi32>
      tpu.vector_store %arg9[%swap3A_74], %swap3A_77 {strides = array<i32>} : memref<128xi32, #tpu.memory_space<vmem>>, vector<16xi32>,
      %get3A_78 = arith.constant 48 : index
      %get3A_79 = tpu.vector_load %arg8[%get3A_78] {strides = array<i32>} : memref<128xi32, #tpu.memory_space<vmem>>, vector<16xi32>,
      %get3A_80 = vector.shape_cast %get3A_79 : vector<16xi32> to vector<16xi32>
      %add3A_81 = vector.broadcast %mul3A_2 : i32 to vector<16xi32>
      %add3A_82 = arith.addi %get3A_80, %add3A_81 : vector<16xi32>
      %swap3A_83 = arith.constant 48 : index
      %swap3A_84 = tpu.vector_load %arg9[%swap3A_83] {strides = array<i32>} : memref<128xi32, #tpu.memory_space<vmem>>, vector<16xi32>,
      %swap3A_85 = vector.shape_cast %swap3A_84 : vector<16xi32> to vector<16xi32>
      %swap3A_86 = vector.shape_cast %add3A_82 : vector<16xi32> to vector<16xi32>
      tpu.vector_store %arg9[%swap3A_83], %swap3A_86 {strides = array<i32>} : memref<128xi32, #tpu.memory_space<vmem>>, vector<16xi32>,
      %get3A_87 = arith.constant 64 : index
      %get3A_88 = tpu.vector_load %arg8[%get3A_87] {strides = array<i32>} : memref<128xi32, #tpu.memory_space<vmem>>, vector<16xi32>,
      %get3A_89 = vector.shape_cast %get3A_88 : vector<16xi32> to vector<16xi32>
      %add3A_90 = vector.broadcast %mul3A_2 : i32 to vector<16xi32>
      %add3A_91 = arith.addi %get3A_89, %add3A_90 : vector<16xi32>
      %swap3A_92 = arith.constant 64 : index
      %swap3A_93 = tpu.vector_load %arg9[%swap3A_92] {strides = array<i32>} : memref<128xi32, #tpu.memory_space<vmem>>, vector<16xi32>,
      %swap3A_94 = vector.shape_cast %swap3A_93 : vector<16xi32> to vector<16xi32>
      %swap3A_95 = vector.shape_cast %add3A_91 : vector<16xi32> to vector<16xi32>
      tpu.vector_store %arg9[%swap3A_92], %swap3A_95 {strides = array<i32>} : memref<128xi32, #tpu.memory_space<vmem>>, vector<16xi32>,
      %get3A_96 = arith.constant 80 : index
      %get3A_97 = tpu.vector_load %arg8[%get3A_96] {strides = array<i32>} : memref<128xi32, #tpu.memory_space<vmem>>, vector<16xi32>,
      %get3A_98 = vector.shape_cast %get3A_97 : vector<16xi32> to vector<16xi32>
      %add3A_99 = vector.broadcast %mul3A_2 : i32 to vector<16xi32>
      %add3A_100 = arith.addi %get3A_98, %add3A_99 : vector<16xi32>
      %swap3A_101 = arith.constant 80 : index
      %swap3A_102 = tpu.vector_load %arg9[%swap3A_101] {strides = array<i32>} : memref<128xi32, #tpu.memory_space<vmem>>, vector<16xi32>,
      %swap3A_103 = vector.shape_cast %swap3A_102 : vector<16xi32> to vector<16xi32>
      %swap3A_104 = vector.shape_cast %add3A_100 : vector<16xi32> to vector<16xi32>
      tpu.vector_store %arg9[%swap3A_101], %swap3A_104 {strides = array<i32>} : memref<128xi32, #tpu.memory_space<vmem>>, vector<16xi32>,
      %get3A_105 = arith.constant 96 : index
      %get3A_106 = tpu.vector_load %arg8[%get3A_105] {strides = array<i32>} : memref<128xi32, #tpu.memory_space<vmem>>, vector<16xi32>,
      %get3A_107 = vector.shape_cast %get3A_106 : vector<16xi32> to vector<16xi32>
      %add3A_108 = vector.broadcast %mul3A_2 : i32 to vector<16xi32>
      %add3A_109 = arith.addi %get3A_107, %add3A_108 : vector<16xi32>
      %swap3A_110 = arith.constant 96 : index
      %swap3A_111 = tpu.vector_load %arg9[%swap3A_110] {strides = array<i32>} : memref<128xi32, #tpu.memory_space<vmem>>, vector<16xi32>,
      %swap3A_112 = vector.shape_cast %swap3A_111 : vector<16xi32> to vector<16xi32>
      %swap3A_113 = vector.shape_cast %add3A_109 : vector<16xi32> to vector<16xi32>
      tpu.vector_store %arg9[%swap3A_110], %swap3A_113 {strides = array<i32>} : memref<128xi32, #tpu.memory_space<vmem>>, vector<16xi32>,
      %get3A_114 = arith.constant 112 : index
      %get3A_115 = tpu.vector_load %arg8[%get3A_114] {strides = array<i32>} : memref<128xi32, #tpu.memory_space<vmem>>, vector<16xi32>,
      %get3A_116 = vector.shape_cast %get3A_115 : vector<16xi32> to vector<16xi32>
      %add3A_117 = vector.broadcast %mul3A_2 : i32 to vector<16xi32>
      %add3A_118 = arith.addi %get3A_116, %add3A_117 : vector<16xi32>
      %swap3A_119 = arith.constant 112 : index
      %swap3A_120 = tpu.vector_load %arg9[%swap3A_119] {strides = array<i32>} : memref<128xi32, #tpu.memory_space<vmem>>, vector<16xi32>,
      %swap3A_121 = vector.shape_cast %swap3A_120 : vector<16xi32> to vector<16xi32>
      %swap3A_122 = vector.shape_cast %add3A_118 : vector<16xi32> to vector<16xi32>
      tpu.vector_store %arg9[%swap3A_119], %swap3A_122 {strides = array<i32>} : memref<128xi32, #tpu.memory_space<vmem>>, vector<16xi32>,
      %dma_start3A = arith.constant 0 : i32
      %dma_start3A_123 = arith.constant 0 : i32
      %dma_start3A_124 = tpu.memref_slice %arg2[%dma_start3A, %dma_start3A_123] : memref<20000x128xf32, #tpu.memory_space<hbm>> -> memref<20000x128xf32, #tpu.memory_space<hbm>>
      tpu.enqueue_indirect_dma source(%dma_start3A_124 : memref<20000x128xf32, #tpu.memory_space<hbm>>) target(%arg11 : memref<128x128xf32, #tpu.memory_space<vmem>>) offsets(%arg9 : memref<128xi32, #tpu.memory_space<vmem>>) semaphore(%arg12 : memref<!tpu.dma_semaphore, #tpu.memory_space<semaphore_mem>>)
      %dma_wait3A = arith.constant 0 : i32
      %dma_wait3A_125 = arith.constant 0 : i32
      %dma_wait3A_126 = tpu.memref_slice %arg2[%dma_wait3A, %dma_wait3A_125] : memref<20000x128xf32, #tpu.memory_space<hbm>> -> memref<20000x128xf32, #tpu.memory_space<hbm>>
      tpu.wait_indirect_dma semaphore(%arg12 : memref<!tpu.dma_semaphore, #tpu.memory_space<semaphore_mem>>) src(%dma_wait3A_126 : memref<20000x128xf32, #tpu.memory_space<hbm>>) dst(%arg11 : memref<128x128xf32, #tpu.memory_space<vmem>>)
      "tpu.region"() ({
        %run_scoped3A = tpu.sem_alloc : memref<!tpu.dma_semaphore, #tpu.memory_space<semaphore_mem>>
        %dma_start3A_127 = arith.constant 0 : i32
        %dma_start3A_128 = arith.constant 0 : i32
        %dma_start3A_129 = tpu.memref_slice %arg7[%dma_start3A_127, %dma_start3A_128] : memref<10008x128xf32, #tpu.memory_space<vmem_shared>> -> memref<10008x128xf32, #tpu.memory_space<vmem_shared>>
        tpu.enqueue_indirect_dma source(%arg11 : memref<128x128xf32, #tpu.memory_space<vmem>>) target(%dma_start3A_129 : memref<10008x128xf32, #tpu.memory_space<vmem_shared>>) offsets(%arg10 : memref<128xi32, #tpu.memory_space<vmem>>) semaphore(%run_scoped3A : memref<!tpu.dma_semaphore, #tpu.memory_space<semaphore_mem>>) {add = true}
        %dma_wait3A_130 = arith.constant 0 : i32
        %dma_wait3A_131 = arith.constant 0 : i32
        %dma_wait3A_132 = tpu.memref_slice %arg7[%dma_wait3A_130, %dma_wait3A_131] : memref<10008x128xf32, #tpu.memory_space<vmem_shared>> -> memref<10008x128xf32, #tpu.memory_space<vmem_shared>>
        tpu.wait_indirect_dma semaphore(%run_scoped3A : memref<!tpu.dma_semaphore, #tpu.memory_space<semaphore_mem>>) src(%arg11 : memref<128x128xf32, #tpu.memory_space<vmem>>) dst(%dma_wait3A_132 : memref<10008x128xf32, #tpu.memory_space<vmem_shared>>)
        tpu.yield
      }) : () -> ()
    }
    %barrier3A_34 = arith.constant 0 : index
    tpu.barrier barrier_id(%barrier3A_34)
    %lt3A_35 = arith.constant 15 : i32
    %lt3A_36 = arith.cmpi slt, %arg1, %lt3A_35 : i32
    %convert_element_type3A_37 = arith.extui %lt3A_36 : i1 to i32
    %cond3A_38 = arith.constant 0 : i32
    %cond3A_39 = arith.cmpi ne, %convert_element_type3A_37, %cond3A_38 : i32
    scf.if %cond3A_39 {
      %add3A_45 = arith.constant 0 : i32
      %add3A_46 = arith.addi %mul3A_0, %add3A_45 : i32
      %mul3A_47 = arith.constant 10000 : i32
      %mul3A_48 = arith.muli %arg0, %mul3A_47 : i32
      %add3A_49 = arith.addi %mul3A_48, %mul3A_0 : i32
      %add3A_50 = arith.constant 0 : i32
      %add3A_51 = arith.addi %add3A_49, %add3A_50 : i32
      "tpu.region"() ({
        %run_scoped3A = tpu.sem_alloc : memref<!tpu.dma_semaphore, #tpu.memory_space<semaphore_mem>>
        %dma_start3A = arith.constant 0 : i32
        %dma_start3A_66 = tpu.memref_slice %arg6[%add3A_51, %dma_start3A] : memref<20000x128xf32, #tpu.memory_space<hbm>> -> memref<208x128xf32, #tpu.memory_space<hbm>>
        %dma_start3A_67 = arith.constant 0 : i32
        %dma_start3A_68 = tpu.memref_slice %arg7[%add3A_46, %dma_start3A_67] : memref<10008x128xf32, #tpu.memory_space<vmem_shared>> -> memref<208x128xf32, #tpu.memory_space<vmem_shared>>
        tpu.enqueue_dma source(%dma_start3A_68 : memref<208x128xf32, #tpu.memory_space<vmem_shared>>) target(%dma_start3A_66 : memref<208x128xf32, #tpu.memory_space<hbm>>) target_semaphore(%run_scoped3A : memref<!tpu.dma_semaphore, #tpu.memory_space<semaphore_mem>>)
        %dma_wait3A = arith.constant 0 : i32
        %dma_wait3A_69 = tpu.memref_slice %arg6[%add3A_51, %dma_wait3A] : memref<20000x128xf32, #tpu.memory_space<hbm>> -> memref<208x128xf32, #tpu.memory_space<hbm>>
        %dma_wait3A_70 = arith.constant 0 : i32
        %dma_wait3A_71 = tpu.memref_slice %arg7[%add3A_46, %dma_wait3A_70] : memref<10008x128xf32, #tpu.memory_space<vmem_shared>> -> memref<208x128xf32, #tpu.memory_space<vmem_shared>>
        tpu.wait_dma2 semaphore(%run_scoped3A : memref<!tpu.dma_semaphore, #tpu.memory_space<semaphore_mem>>) src(%dma_wait3A_71 : memref<208x128xf32, #tpu.memory_space<vmem_shared>>) dst(%dma_wait3A_69 : memref<208x128xf32, #tpu.memory_space<hbm>>)
        tpu.yield
      }) : () -> ()
      %add3A_52 = arith.constant 208 : i32
      %add3A_53 = arith.addi %mul3A_0, %add3A_52 : i32
      %mul3A_54 = arith.constant 10000 : i32
      %mul3A_55 = arith.muli %arg0, %mul3A_54 : i32
      %add3A_56 = arith.addi %mul3A_55, %mul3A_0 : i32
      %add3A_57 = arith.constant 208 : i32
      %add3A_58 = arith.addi %add3A_56, %add3A_57 : i32
      "tpu.region"() ({
        %run_scoped3A = tpu.sem_alloc : memref<!tpu.dma_semaphore, #tpu.memory_space<semaphore_mem>>
        %dma_start3A = arith.constant 0 : i32
        %dma_start3A_66 = tpu.memref_slice %arg6[%add3A_58, %dma_start3A] : memref<20000x128xf32, #tpu.memory_space<hbm>> -> memref<208x128xf32, #tpu.memory_space<hbm>>
        %dma_start3A_67 = arith.constant 0 : i32
        %dma_start3A_68 = tpu.memref_slice %arg7[%add3A_53, %dma_start3A_67] : memref<10008x128xf32, #tpu.memory_space<vmem_shared>> -> memref<208x128xf32, #tpu.memory_space<vmem_shared>>
        tpu.enqueue_dma source(%dma_start3A_68 : memref<208x128xf32, #tpu.memory_space<vmem_shared>>) target(%dma_start3A_66 : memref<208x128xf32, #tpu.memory_space<hbm>>) target_semaphore(%run_scoped3A : memref<!tpu.dma_semaphore, #tpu.memory_space<semaphore_mem>>)
        %dma_wait3A = arith.constant 0 : i32
        %dma_wait3A_69 = tpu.memref_slice %arg6[%add3A_58, %dma_wait3A] : memref<20000x128xf32, #tpu.memory_space<hbm>> -> memref<208x128xf32, #tpu.memory_space<hbm>>
        %dma_wait3A_70 = arith.constant 0 : i32
        %dma_wait3A_71 = tpu.memref_slice %arg7[%add3A_53, %dma_wait3A_70] : memref<10008x128xf32, #tpu.memory_space<vmem_shared>> -> memref<208x128xf32, #tpu.memory_space<vmem_shared>>
        tpu.wait_dma2 semaphore(%run_scoped3A : memref<!tpu.dma_semaphore, #tpu.memory_space<semaphore_mem>>) src(%dma_wait3A_71 : memref<208x128xf32, #tpu.memory_space<vmem_shared>>) dst(%dma_wait3A_69 : memref<208x128xf32, #tpu.memory_space<hbm>>)
        tpu.yield
      }) : () -> ()
      %add3A_59 = arith.constant 416 : i32
      %add3A_60 = arith.addi %mul3A_0, %add3A_59 : i32
      %mul3A_61 = arith.constant 10000 : i32
      %mul3A_62 = arith.muli %arg0, %mul3A_61 : i32
      %add3A_63 = arith.addi %mul3A_62, %mul3A_0 : i32
      %add3A_64 = arith.constant 416 : i32
      %add3A_65 = arith.addi %add3A_63, %add3A_64 : i32
      "tpu.region"() ({
        %run_scoped3A = tpu.sem_alloc : memref<!tpu.dma_semaphore, #tpu.memory_space<semaphore_mem>>
        %dma_start3A = arith.constant 0 : i32
        %dma_start3A_66 = tpu.memref_slice %arg6[%add3A_65, %dma_start3A] : memref<20000x128xf32, #tpu.memory_space<hbm>> -> memref<208x128xf32, #tpu.memory_space<hbm>>
        %dma_start3A_67 = arith.constant 0 : i32
        %dma_start3A_68 = tpu.memref_slice %arg7[%add3A_60, %dma_start3A_67] : memref<10008x128xf32, #tpu.memory_space<vmem_shared>> -> memref<208x128xf32, #tpu.memory_space<vmem_shared>>
        tpu.enqueue_dma source(%dma_start3A_68 : memref<208x128xf32, #tpu.memory_space<vmem_shared>>) target(%dma_start3A_66 : memref<208x128xf32, #tpu.memory_space<hbm>>) target_semaphore(%run_scoped3A : memref<!tpu.dma_semaphore, #tpu.memory_space<semaphore_mem>>)
        %dma_wait3A = arith.constant 0 : i32
        %dma_wait3A_69 = tpu.memref_slice %arg6[%add3A_65, %dma_wait3A] : memref<20000x128xf32, #tpu.memory_space<hbm>> -> memref<208x128xf32, #tpu.memory_space<hbm>>
        %dma_wait3A_70 = arith.constant 0 : i32
        %dma_wait3A_71 = tpu.memref_slice %arg7[%add3A_60, %dma_wait3A_70] : memref<10008x128xf32, #tpu.memory_space<vmem_shared>> -> memref<208x128xf32, #tpu.memory_space<vmem_shared>>
        tpu.wait_dma2 semaphore(%run_scoped3A : memref<!tpu.dma_semaphore, #tpu.memory_space<semaphore_mem>>) src(%dma_wait3A_71 : memref<208x128xf32, #tpu.memory_space<vmem_shared>>) dst(%dma_wait3A_69 : memref<208x128xf32, #tpu.memory_space<hbm>>)
        tpu.yield
      }) : () -> ()
    } else {
    }
    %eq3A_40 = arith.constant 15 : i32
    %eq3A_41 = arith.cmpi eq, %arg1, %eq3A_40 : i32
    %convert_element_type3A_42 = arith.extui %eq3A_41 : i1 to i32
    %cond3A_43 = arith.constant 0 : i32
    %cond3A_44 = arith.cmpi ne, %convert_element_type3A_42, %cond3A_43 : i32
    scf.if %cond3A_44 {
      %add3A_45 = arith.constant 0 : i32
      %add3A_46 = arith.addi %mul3A_0, %add3A_45 : i32
      %mul3A_47 = arith.constant 10000 : i32
      %mul3A_48 = arith.muli %arg0, %mul3A_47 : i32
      %add3A_49 = arith.addi %mul3A_48, %mul3A_0 : i32
      %add3A_50 = arith.constant 0 : i32
      %add3A_51 = arith.addi %add3A_49, %add3A_50 : i32
      "tpu.region"() ({
        %run_scoped3A = tpu.sem_alloc : memref<!tpu.dma_semaphore, #tpu.memory_space<semaphore_mem>>
        %dma_start3A = arith.constant 0 : i32
        %dma_start3A_73 = tpu.memref_slice %arg6[%add3A_51, %dma_start3A] : memref<20000x128xf32, #tpu.memory_space<hbm>> -> memref<208x128xf32, #tpu.memory_space<hbm>>
        %dma_start3A_74 = arith.constant 0 : i32
        %dma_start3A_75 = tpu.memref_slice %arg7[%add3A_46, %dma_start3A_74] : memref<10008x128xf32, #tpu.memory_space<vmem_shared>> -> memref<208x128xf32, #tpu.memory_space<vmem_shared>>
        tpu.enqueue_dma source(%dma_start3A_75 : memref<208x128xf32, #tpu.memory_space<vmem_shared>>) target(%dma_start3A_73 : memref<208x128xf32, #tpu.memory_space<hbm>>) target_semaphore(%run_scoped3A : memref<!tpu.dma_semaphore, #tpu.memory_space<semaphore_mem>>)
        %dma_wait3A = arith.constant 0 : i32
        %dma_wait3A_76 = tpu.memref_slice %arg6[%add3A_51, %dma_wait3A] : memref<20000x128xf32, #tpu.memory_space<hbm>> -> memref<208x128xf32, #tpu.memory_space<hbm>>
        %dma_wait3A_77 = arith.constant 0 : i32
        %dma_wait3A_78 = tpu.memref_slice %arg7[%add3A_46, %dma_wait3A_77] : memref<10008x128xf32, #tpu.memory_space<vmem_shared>> -> memref<208x128xf32, #tpu.memory_space<vmem_shared>>
        tpu.wait_dma2 semaphore(%run_scoped3A : memref<!tpu.dma_semaphore, #tpu.memory_space<semaphore_mem>>) src(%dma_wait3A_78 : memref<208x128xf32, #tpu.memory_space<vmem_shared>>) dst(%dma_wait3A_76 : memref<208x128xf32, #tpu.memory_space<hbm>>)
        tpu.yield
      }) : () -> ()
      %add3A_52 = arith.constant 208 : i32
      %add3A_53 = arith.addi %mul3A_0, %add3A_52 : i32
      %mul3A_54 = arith.constant 10000 : i32
      %mul3A_55 = arith.muli %arg0, %mul3A_54 : i32
      %add3A_56 = arith.addi %mul3A_55, %mul3A_0 : i32
      %add3A_57 = arith.constant 208 : i32
      %add3A_58 = arith.addi %add3A_56, %add3A_57 : i32
      "tpu.region"() ({
        %run_scoped3A = tpu.sem_alloc : memref<!tpu.dma_semaphore, #tpu.memory_space<semaphore_mem>>
        %dma_start3A = arith.constant 0 : i32
        %dma_start3A_73 = tpu.memref_slice %arg6[%add3A_58, %dma_start3A] : memref<20000x128xf32, #tpu.memory_space<hbm>> -> memref<208x128xf32, #tpu.memory_space<hbm>>
        %dma_start3A_74 = arith.constant 0 : i32
        %dma_start3A_75 = tpu.memref_slice %arg7[%add3A_53, %dma_start3A_74] : memref<10008x128xf32, #tpu.memory_space<vmem_shared>> -> memref<208x128xf32, #tpu.memory_space<vmem_shared>>
        tpu.enqueue_dma source(%dma_start3A_75 : memref<208x128xf32, #tpu.memory_space<vmem_shared>>) target(%dma_start3A_73 : memref<208x128xf32, #tpu.memory_space<hbm>>) target_semaphore(%run_scoped3A : memref<!tpu.dma_semaphore, #tpu.memory_space<semaphore_mem>>)
        %dma_wait3A = arith.constant 0 : i32
        %dma_wait3A_76 = tpu.memref_slice %arg6[%add3A_58, %dma_wait3A] : memref<20000x128xf32, #tpu.memory_space<hbm>> -> memref<208x128xf32, #tpu.memory_space<hbm>>
        %dma_wait3A_77 = arith.constant 0 : i32
        %dma_wait3A_78 = tpu.memref_slice %arg7[%add3A_53, %dma_wait3A_77] : memref<10008x128xf32, #tpu.memory_space<vmem_shared>> -> memref<208x128xf32, #tpu.memory_space<vmem_shared>>
        tpu.wait_dma2 semaphore(%run_scoped3A : memref<!tpu.dma_semaphore, #tpu.memory_space<semaphore_mem>>) src(%dma_wait3A_78 : memref<208x128xf32, #tpu.memory_space<vmem_shared>>) dst(%dma_wait3A_76 : memref<208x128xf32, #tpu.memory_space<hbm>>)
        tpu.yield
      }) : () -> ()
      %add3A_59 = arith.constant 416 : i32
      %add3A_60 = arith.addi %mul3A_0, %add3A_59 : i32
      %mul3A_61 = arith.constant 10000 : i32
      %mul3A_62 = arith.muli %arg0, %mul3A_61 : i32
      %add3A_63 = arith.addi %mul3A_62, %mul3A_0 : i32
      %add3A_64 = arith.constant 416 : i32
      %add3A_65 = arith.addi %add3A_63, %add3A_64 : i32
      "tpu.region"() ({
        %run_scoped3A = tpu.sem_alloc : memref<!tpu.dma_semaphore, #tpu.memory_space<semaphore_mem>>
        %dma_start3A = arith.constant 0 : i32
        %dma_start3A_73 = tpu.memref_slice %arg6[%add3A_65, %dma_start3A] : memref<20000x128xf32, #tpu.memory_space<hbm>> -> memref<208x128xf32, #tpu.memory_space<hbm>>
        %dma_start3A_74 = arith.constant 0 : i32
        %dma_start3A_75 = tpu.memref_slice %arg7[%add3A_60, %dma_start3A_74] : memref<10008x128xf32, #tpu.memory_space<vmem_shared>> -> memref<208x128xf32, #tpu.memory_space<vmem_shared>>
        tpu.enqueue_dma source(%dma_start3A_75 : memref<208x128xf32, #tpu.memory_space<vmem_shared>>) target(%dma_start3A_73 : memref<208x128xf32, #tpu.memory_space<hbm>>) target_semaphore(%run_scoped3A : memref<!tpu.dma_semaphore, #tpu.memory_space<semaphore_mem>>)
        %dma_wait3A = arith.constant 0 : i32
        %dma_wait3A_76 = tpu.memref_slice %arg6[%add3A_65, %dma_wait3A] : memref<20000x128xf32, #tpu.memory_space<hbm>> -> memref<208x128xf32, #tpu.memory_space<hbm>>
        %dma_wait3A_77 = arith.constant 0 : i32
        %dma_wait3A_78 = tpu.memref_slice %arg7[%add3A_60, %dma_wait3A_77] : memref<10008x128xf32, #tpu.memory_space<vmem_shared>> -> memref<208x128xf32, #tpu.memory_space<vmem_shared>>
        tpu.wait_dma2 semaphore(%run_scoped3A : memref<!tpu.dma_semaphore, #tpu.memory_space<semaphore_mem>>) src(%dma_wait3A_78 : memref<208x128xf32, #tpu.memory_space<vmem_shared>>) dst(%dma_wait3A_76 : memref<208x128xf32, #tpu.memory_space<hbm>>)
        tpu.yield
      }) : () -> ()
      %add3A_66 = arith.constant 624 : i32
      %add3A_67 = arith.addi %mul3A_0, %add3A_66 : i32
      %mul3A_68 = arith.constant 10000 : i32
      %mul3A_69 = arith.muli %arg0, %mul3A_68 : i32
      %add3A_70 = arith.addi %mul3A_69, %mul3A_0 : i32
      %add3A_71 = arith.constant 624 : i32
      %add3A_72 = arith.addi %add3A_70, %add3A_71 : i32
      "tpu.region"() ({
        %run_scoped3A = tpu.sem_alloc : memref<!tpu.dma_semaphore, #tpu.memory_space<semaphore_mem>>
        %dma_start3A = arith.constant 0 : i32
        %dma_start3A_73 = tpu.memref_slice %arg6[%add3A_72, %dma_start3A] : memref<20000x128xf32, #tpu.memory_space<hbm>> -> memref<16x128xf32, #tpu.memory_space<hbm>>
        %dma_start3A_74 = arith.constant 0 : i32
        %dma_start3A_75 = tpu.memref_slice %arg7[%add3A_67, %dma_start3A_74] : memref<10008x128xf32, #tpu.memory_space<vmem_shared>> -> memref<16x128xf32, #tpu.memory_space<vmem_shared>>
        tpu.enqueue_dma source(%dma_start3A_75 : memref<16x128xf32, #tpu.memory_space<vmem_shared>>) target(%dma_start3A_73 : memref<16x128xf32, #tpu.memory_space<hbm>>) target_semaphore(%run_scoped3A : memref<!tpu.dma_semaphore, #tpu.memory_space<semaphore_mem>>)
        %dma_wait3A = arith.constant 0 : i32
        %dma_wait3A_76 = tpu.memref_slice %arg6[%add3A_72, %dma_wait3A] : memref<20000x128xf32, #tpu.memory_space<hbm>> -> memref<16x128xf32, #tpu.memory_space<hbm>>
        %dma_wait3A_77 = arith.constant 0 : i32
        %dma_wait3A_78 = tpu.memref_slice %arg7[%add3A_67, %dma_wait3A_77] : memref<10008x128xf32, #tpu.memory_space<vmem_shared>> -> memref<16x128xf32, #tpu.memory_space<vmem_shared>>
        tpu.wait_dma2 semaphore(%run_scoped3A : memref<!tpu.dma_semaphore, #tpu.memory_space<semaphore_mem>>) src(%dma_wait3A_78 : memref<16x128xf32, #tpu.memory_space<vmem_shared>>) dst(%dma_wait3A_76 : memref<16x128xf32, #tpu.memory_space<hbm>>)
        tpu.yield
      }) : () -> ()
    } else {
    }
    return
  }
}

module attributes {stable_mosaic.version = 14 : i64} {
  func.func @_tc_final_body(%arg0: i32, %arg1: i32, %arg2: memref<1000x128xf32, #tpu.memory_space<vmem>>, %arg3: memref<1000x128xf32, #tpu.memory_space<vmem>>, %arg4: memref<1x1000x128xf32, #tpu.memory_space<vmem>>, %arg5: memref<1x1000x128xf32, #tpu.memory_space<vmem>>, %arg6: memref<128x128xf32, #tpu.memory_space<vmem>>, %arg7: memref<128x128xf32, #tpu.memory_space<vmem>>, %arg8: memref<1x128xf32, #tpu.memory_space<vmem>>, %arg9: memref<1x1000x128xf32, #tpu.memory_space<vmem>>) attributes {dimension_semantics = [#tpu.dimension_semantics<arbitrary>, #tpu.dimension_semantics<arbitrary>], iteration_bounds = array<i64: 2, 10>, scalar_prefetch = 0 : i64, scratch_operands = 0 : i64, tpu.core_type = #tpu.core_type<tc>, window_params = [{transform_indices = @transform_0, window_bounds = array<i64: 1000, 128>}, {transform_indices = @transform_1, window_bounds = array<i64: 1000, 128>}, {transform_indices = @transform_2, window_bounds = array<i64: 1, 1000, 128>}, {transform_indices = @transform_3, window_bounds = array<i64: 1, 1000, 128>}, {pipeline_mode = #tpu.pipeline_mode<synchronous>, transform_indices = @transform_4, window_bounds = array<i64: 128, 128>}, {pipeline_mode = #tpu.pipeline_mode<synchronous>, transform_indices = @transform_5, window_bounds = array<i64: 128, 128>}, {pipeline_mode = #tpu.pipeline_mode<synchronous>, transform_indices = @transform_6, window_bounds = array<i64: 1, 128>}, {transform_indices = @transform_7, window_bounds = array<i64: 1, 1000, 128>}]} {
    %get3A = arith.constant 0 : index
    %get3A_0 = arith.constant 0 : index
    %get3A_1 = vector.load %arg2[%get3A, %get3A_0] : memref<1000x128xf32, #tpu.memory_space<vmem>>, vector<1000x1xf32>
    %get3A_2 = arith.constant 0 : index
    %get3A_3 = arith.constant 0 : index
    %get3A_4 = vector.load %arg3[%get3A_2, %get3A_3] : memref<1000x128xf32, #tpu.memory_space<vmem>>, vector<1000x1xf32>
    %add3A = arith.addf %get3A_1, %get3A_4 : vector<1000x1xf32>
    %max3A = arith.constant 1.000000e+00 : f32
    %max3A_5 = vector.broadcast %max3A : f32 to vector<1000x1xf32>
    %max3A_6 = arith.maximumf %add3A, %max3A_5 : vector<1000x1xf32>
    %div3A = arith.constant 1.000000e+00 : f32
    %div3A_7 = vector.broadcast %div3A : f32 to vector<1000x1xf32>
    %div3A_8 = arith.divf %div3A_7, %max3A_6 : vector<1000x1xf32>
    %get3A_9 = arith.constant 0 : index
    %get3A_10 = arith.constant 0 : index
    %get3A_11 = arith.constant 0 : index
    %get3A_12 = vector.load %arg5[%get3A_9, %get3A_10, %get3A_11] : memref<1x1000x128xf32, #tpu.memory_space<vmem>>, vector<1x1000x128xf32>
    %get3A_13 = vector.shape_cast %get3A_12 : vector<1x1000x128xf32> to vector<1000x128xf32>
    %mul3A = vector.broadcast %div3A_8 : vector<1000x1xf32> to vector<1000x128xf32>
    %mul3A_14 = arith.mulf %get3A_13, %mul3A : vector<1000x128xf32>
    %get3A_15 = arith.constant 0 : index
    %get3A_16 = arith.constant 0 : index
    %get3A_17 = vector.load %arg6[%get3A_15, %get3A_16] : memref<128x128xf32, #tpu.memory_space<vmem>>, vector<128x128xf32>
    %dot_general3A = arith.constant dense<0.000000e+00> : vector<1000x128xf32>
    %dot_general3A_18 = tpu.matmul %mul3A_14, %get3A_17, %dot_general3A {dimension_numbers = #tpu.dot_dimension_numbers<[1], [0], [0], [1], [0, 0, 1, 1], [], []>, transpose_lhs_hint = false} : vector<1000x128xf32>, vector<128x128xf32>, vector<1000x128xf32> -> vector<1000x128xf32>
    %get3A_19 = arith.constant 0 : index
    %get3A_20 = arith.constant 0 : index
    %get3A_21 = arith.constant 0 : index
    %get3A_22 = vector.load %arg4[%get3A_19, %get3A_20, %get3A_21] : memref<1x1000x128xf32, #tpu.memory_space<vmem>>, vector<1x1000x128xf32>
    %get3A_23 = vector.shape_cast %get3A_22 : vector<1x1000x128xf32> to vector<1000x128xf32>
    %get3A_24 = arith.constant 0 : index
    %get3A_25 = arith.constant 0 : index
    %get3A_26 = vector.load %arg7[%get3A_24, %get3A_25] : memref<128x128xf32, #tpu.memory_space<vmem>>, vector<128x128xf32>
    %dot_general3A_27 = arith.constant dense<0.000000e+00> : vector<1000x128xf32>
    %dot_general3A_28 = tpu.matmul %get3A_23, %get3A_26, %dot_general3A_27 {dimension_numbers = #tpu.dot_dimension_numbers<[1], [0], [0], [1], [0, 0, 1, 1], [], []>, transpose_lhs_hint = false} : vector<1000x128xf32>, vector<128x128xf32>, vector<1000x128xf32> -> vector<1000x128xf32>
    %add3A_29 = arith.addf %dot_general3A_18, %dot_general3A_28 : vector<1000x128xf32>
    %get3A_30 = arith.constant 0 : index
    %get3A_31 = arith.constant 0 : index
    %get3A_32 = vector.load %arg8[%get3A_30, %get3A_31] : memref<1x128xf32, #tpu.memory_space<vmem>>, vector<1x128xf32>
    %add3A_33 = vector.broadcast %get3A_32 : vector<1x128xf32> to vector<1000x128xf32>
    %add3A_34 = arith.addf %add3A_29, %add3A_33 : vector<1000x128xf32>
    %max3A_35 = arith.constant 0.000000e+00 : f32
    %max3A_36 = vector.broadcast %max3A_35 : f32 to vector<1000x128xf32>
    %max3A_37 = arith.maximumf %add3A_34, %max3A_36 : vector<1000x128xf32>
    %swap3A = arith.constant 0 : index
    %swap3A_38 = arith.constant 0 : index
    %swap3A_39 = arith.constant 0 : index
    %swap3A_40 = vector.load %arg9[%swap3A, %swap3A_38, %swap3A_39] : memref<1x1000x128xf32, #tpu.memory_space<vmem>>, vector<1x1000x128xf32>
    %swap3A_41 = vector.shape_cast %swap3A_40 : vector<1x1000x128xf32> to vector<1000x128xf32>
    %swap3A_42 = vector.shape_cast %max3A_37 : vector<1000x128xf32> to vector<1x1000x128xf32>
    tpu.vector_store %arg9[%swap3A, %swap3A_38, %swap3A_39], %swap3A_42 {strides = array<i32>} : memref<1x1000x128xf32, #tpu.memory_space<vmem>>, vector<1x1000x128xf32>,
    return
  }
  func.func @transform_0(%arg0: i32, %arg1: i32) -> (i32, i32) {
    %c0_i32 = arith.constant 0 : i32
    %c0_i32_0 = arith.constant 0 : i32
    return %arg1, %c0_i32 : i32, i32
  }
  func.func @transform_1(%arg0: i32, %arg1: i32) -> (i32, i32) {
    %add3A = arith.constant 10 : i32
    %add3A_0 = arith.addi %add3A, %arg1 : i32
    %c0_i32 = arith.constant 0 : i32
    %c0_i32_1 = arith.constant 0 : i32
    return %add3A_0, %c0_i32 : i32, i32
  }
  func.func @transform_2(%arg0: i32, %arg1: i32) -> (i32, i32, i32) {
    %c0_i32 = arith.constant 0 : i32
    %c0_i32_0 = arith.constant 0 : i32
    return %arg0, %arg1, %c0_i32 : i32, i32, i32
  }
  func.func @transform_3(%arg0: i32, %arg1: i32) -> (i32, i32, i32) {
    %c0_i32 = arith.constant 0 : i32
    %c0_i32_0 = arith.constant 0 : i32
    return %arg0, %arg1, %c0_i32 : i32, i32, i32
  }
  func.func @transform_4(%arg0: i32, %arg1: i32) -> (i32, i32) {
    %c0_i32 = arith.constant 0 : i32
    %c0_i32_0 = arith.constant 0 : i32
    %c0_i32_1 = arith.constant 0 : i32
    return %c0_i32, %c0_i32_0 : i32, i32
  }
  func.func @transform_5(%arg0: i32, %arg1: i32) -> (i32, i32) {
    %c0_i32 = arith.constant 0 : i32
    %c0_i32_0 = arith.constant 0 : i32
    %c0_i32_1 = arith.constant 0 : i32
    return %c0_i32, %c0_i32_0 : i32, i32
  }
  func.func @transform_6(%arg0: i32, %arg1: i32) -> (i32, i32) {
    %c0_i32 = arith.constant 0 : i32
    %c0_i32_0 = arith.constant 0 : i32
    %c0_i32_1 = arith.constant 0 : i32
    return %c0_i32, %c0_i32_0 : i32, i32
  }
  func.func @transform_7(%arg0: i32, %arg1: i32) -> (i32, i32, i32) {
    %c0_i32 = arith.constant 0 : i32
    %c0_i32_0 = arith.constant 0 : i32
    return %arg0, %arg1, %c0_i32 : i32, i32, i32
  }
}

</mosaic_0001>

<sc_bundles>
// kernel: kernel.5.cloned.1.call-start
scs
__scs_entry_jumppad:
0x0: {  	(pc) =	sbr.rel $0x88, $3  }
0x1: {  	(tag) =	ssettag $0x0;
	lr =	simm.s32 $0x1  }
0x2: {  	[smem:$0x3F9C] =	sst lr;
	_ =	strace $0xD0000000  }
0x3: {  	_ = 	snop  }
0x4: {  	_ = 	snop  }
0x5: {  	_ = 	snop  }
0x6: {  	_ = 	snop  }
0x7: {  	_ = 	snop  }
__scs_overlays_trampoline_lowered:
0x8: {  	[smem:$0x3FAB] =	sst s0  }
0x9: {  	[smem:$0x3FAC] =	sst s1  }
0xa: {  	[smem:$0x3FAD] =	sst s2  }
0xb: {  	[smem:$0x3FAE] =	sst s3  }
0xc: {  	[smem:$0x3FAF] =	sst s4  }
0xd: {  	[smem:$0x3FB0] =	sst s5  }
0xe: {  	[smem:$0x3FB1] =	sst s6  }
0xf: {  	[smem:$0x3FB2] =	sst s7  }
0x10: {  	[smem:$0x3FB3] =	sst s8  }
0x11: {  	[smem:$0x3FB4] =	sst s9;
	s0 =	simm.s32 @!p0 $0x0  }
0x12: {  	s1 =	sld [smem:$0x3F9A];
	s0 =	simm.s32 @p0 $0x1  }
0x13: {  	[smem:$0x3FB5] =	sst s0;
	s0 =	simm.s32 @!p1 $0x0  }
0x14: {  	s2 =	sld [smem:$0x3F99];
	s0 =	simm.s32 @p1 $0x1  }
0x15: {  	[smem:$0x3FB6] =	sst s0;
	s0 =	simm.s32 @!p2 $0x0  }
0x16: {  	s3 =	sld [smem:$0x3FDB];
	s0 =	simm.s32 @p2 $0x1  }
0x17: {  	s4 =	simm.s32 $0x1BF5;
	[smem:$0x3FB8] =	sst s0  }
0x18: {  	s0 =	sld [smem:$0x3F9B];
	_ =	swait.ge [sflag:s4], $0x0  }
0x19: {  	s7 =	sld [smem:$0x3F9C]  }
0x1a: {  	s8 =	sadd.s32 $0xFFFFE003, lr  }
0x1b: {  	s9 =	sadd.s32 $0xFFFFFEF7, lr;
	s5 =	simm.s32 $0xFFFFFFFF;
	p2 =	slt.u32 s8, $0xFFFFF086  }
0x1c: {  	p1 =	slt.u32 s9, $0xF7A;
	s5 =	simm.s32 @!p2 $0x0  }
0x1d: {  	s5 =	simm.s32 @p1 $0x1;
	p0 =	seq.s32 s7, s2  }
0x1e: {  	s7 =	smul.u32 @!p0 $0xF7A, s2;
	p2 =	seq.s32 @!p0 s5, $0x0  }
0x1f: {  	s9 =	smul.u32 $0xF7A, s1;
	s8 =	simm.s32 @!p0 $0x1BF5;
	p2 =	por !p2, p0  }
0x20: {  	[sflag:s8] =	ssyncset.s32 @!p0 $0xFFFFF086;
	s6 =	sadd.s32 @!p0 s3, s7;
	s7 =	simm.s32 @!p0 $0x108  }
0x21: {  	s3 =	sadd.s32 s3, s9;
	s6 =	sadd.s32 @!p0 $0x88, s6;
	s7 =	simm.s32 @p2 $0x1082  }
0x22: {  	[simem:s7], [sflag:s8] =	dma.local @!p0 [hbm:s6], $0xF7A  }
0x23: {  	s9 =	sor.u32 $0xD0000000, s2;
	s6 =	simm.s32 $0x108;
	_ =	swait.ge @!p0 [sflag:s8], $0x0  }
0x24: {  	s3 =	sadd.s32 $0x88, s3;
	s6 =	simm.s32 @!p1 $0x1082;
	[sflag:s4] =	ssyncset.s32 $0xFFFFF086  }
0x25: {  	[simem:s6], [sflag:s4] =	dma.local [hbm:s3], $0xF7A  }
0x26: {  	[smem:$0x3F9C] =	sst s1;
	(tag) =	ssettag s2;
	_ =	strace s9  }
0x27: {  	s1 =	sld [smem:$0x3FAC]  }
0x28: {  	s2 =	sld [smem:$0x3FAD]  }
0x29: {  	s4 =	sld [smem:$0x3FAF]  }
0x2a: {  	p0 =	seq.s32 s5, $0x0;
	s5 =	sld [smem:$0x3FB0]  }
0x2b: {  	s6 =	sld [smem:$0x3FB1]  }
0x2c: {  	s7 =	sld [smem:$0x3FB2]  }
0x2d: {  	s3 =	simm.s32 $0x108;
	s8 =	sld [smem:$0x3FB3]  }
0x2e: {  	s3 =	simm.s32 @!p0 $0x1082;
	s9 =	sld [smem:$0x3FB4]  }
0x2f: {  	lr =	sadd.s32 s0, s3;
	s0 =	sld [smem:$0x3FAB]  }
0x30: {  	s3 =	sld [smem:$0x3FAE]  }
0x31: {  	[smem:$0x3FB7] =	sst s10  }
0x32: {  	s10 =	sld [smem:$0x3FB5];
	_ =	sdelay $0x3  }
0x33: {  	p0 =	seq.s32 s10, $0x1;
	s10 =	sld [smem:$0x3FB7];
	_ =	sdelay $0x3  }
0x34: {  	[smem:$0x3FB7] =	sst s10  }
0x35: {  	s10 =	sld [smem:$0x3FB6];
	_ =	sdelay $0x3  }
0x36: {  	p1 =	seq.s32 s10, $0x1;
	s10 =	sld [smem:$0x3FB7];
	_ =	sdelay $0x3  }
0x37: {  	[smem:$0x3FB7] =	sst s10  }
0x38: {  	s10 =	sld [smem:$0x3FB8]  }
0x39: {  	_ = 	snop;
	(pc) =	sbr.ind lr, $3  }
0x3a: {  	_ = 	snop  }
0x3b: {  	_ = 	snop  }
0x3c: {  	p2 =	seq.s32 s10, $0x1;
	s10 =	sld [smem:$0x3FB7]  }
0x3d: {  	_ =	shalt  }
0x3e: {  	_ =	shalt  }
0x3f: {  	_ =	shalt  }
0x40: {  	_ =	shalt  }
0x41: {  	_ =	shalt  }
0x42: {  	_ =	shalt  }
0x43: {  	_ =	shalt  }
0x44: {  	_ =	shalt  }
0x45: {  	_ =	shalt  }
0x46: {  	_ =	shalt  }
0x47: {  	_ =	shalt  }
0x48: {  	_ =	shalt  }
0x49: {  	_ =	shalt  }
0x4a: {  	_ =	shalt  }
0x4b: {  	_ =	shalt  }
0x4c: {  	_ =	shalt  }
0x4d: {  	_ =	shalt  }
0x4e: {  	_ =	shalt  }
0x4f: {  	_ =	shalt  }
0x50: {  	_ =	shalt  }
0x51: {  	_ =	shalt  }
0x52: {  	_ =	shalt  }
0x53: {  	_ =	shalt  }
0x54: {  	_ =	shalt  }
0x55: {  	_ =	shalt  }
0x56: {  	_ =	shalt  }
0x57: {  	_ =	shalt  }
0x58: {  	_ =	shalt  }
0x59: {  	_ =	shalt  }
0x5a: {  	_ =	shalt  }
0x5b: {  	_ =	shalt  }
0x5c: {  	_ =	shalt  }
0x5d: {  	_ =	shalt  }
0x5e: {  	_ =	shalt  }
0x5f: {  	_ =	shalt  }
0x60: {  	_ =	shalt  }
0x61: {  	_ =	shalt  }
0x62: {  	_ =	shalt  }
0x63: {  	_ =	shalt  }
0x64: {  	_ =	shalt  }
0x65: {  	_ =	shalt  }
0x66: {  	_ =	shalt  }
0x67: {  	_ =	shalt  }
0x68: {  	_ =	shalt  }
0x69: {  	_ =	shalt  }
0x6a: {  	_ =	shalt  }
0x6b: {  	_ =	shalt  }
0x6c: {  	_ =	shalt  }
0x6d: {  	_ =	shalt  }
0x6e: {  	_ =	shalt  }
0x6f: {  	_ =	shalt  }
0x70: {  	_ =	shalt  }
0x71: {  	_ =	shalt  }
0x72: {  	_ =	shalt  }
0x73: {  	_ =	shalt  }
0x74: {  	_ =	shalt  }
0x75: {  	_ =	shalt  }
0x76: {  	_ =	shalt  }
0x77: {  	_ =	shalt  }
0x78: {  	_ =	shalt  }
0x79: {  	_ =	shalt  }
0x7a: {  	_ =	shalt  }
0x7b: {  	_ =	shalt  }
0x7c: {  	_ =	shalt  }
0x7d: {  	_ =	shalt  }
0x7e: {  	_ =	shalt  }
0x7f: {  	_ =	shalt  }
0x80: {  	_ =	shalt  }
0x81: {  	_ =	shalt  }
0x82: {  	_ =	shalt  }
0x83: {  	_ =	shalt  }
0x84: {  	_ =	shalt  }
0x85: {  	_ =	shalt  }
0x86: {  	_ =	shalt  }
0x87: {  	_ =	shalt  }
.Lfunc_end0:
.L_simem_size_0:
called_computation_lowered:
.L_overlay_start_0:
0x88: {  	s2 =	sld [smem:$0x3FD9]  }
0x89: {  	s3 =	sld [smem:$0x3FFE];
	_ =	sdelay $0x1  }
0x8a: {  	s1 =	srdreg.scid  }
0x8b: {  	s0 =	sand.u32 $0x1, s1  }
0x8c: {  	s17 =	sshll.u32 s0, $0xA;
	s2 =	sadd.s32 s3, s2  }
0x8d: {  	s2 =	sadd.s32 s2, s17  }
0x8e: {  	[smem:$0x3FC3] =	sst s2  }
0x8f: {  	_ = 	snop  }
0x90: {  	s18 =	sld [smem:$0x3FC9];
	(tm) =	ssettm $0x1  }
0x91: {  	s19 =	sld [smem:$0x3FFB];
	_ =	sdelay $0x3  }
0x92: {  	_ =	strace s19  }
0x93: {  	s2 =	sld [smem:$0x3FFC];
	_ =	sdelay $0x3  }
0x94: {  	_ =	strace s2  }
0x95: {  	s2 =	sld [smem:$0x3FFD];
	_ =	sdelay $0x3  }
0x96: {  	_ =	strace s2  }
0x97: {  	_ =	strace $0x8FFFFFFF  }
0x98: {  	s20 =	sld [smem:$0x3FDB];
	_ =	sdelay $0x1  }
0x99: {  	s4 =	simm.s32 $_scs_section_size  }
0x9a: {  	s5 =	simm.s32 $_size__tile_overlayer_lowered;
	s6 =	simm.s32 $_tile_overlayer_lowered  }
0x9b: {  	s7 =	simm.s32 $0x1BFF;
	s21 =	sshll.u32 s6, $0x1;
	s4 =	sadd.s32 s4, s20  }
0x9c: {  	s22 =	simm.s32 $0x0;
	s5 =	sshll.u32 s5, $0x1;
	s6 =	sadd.s32 s21, s4  }
0x9d: {  	[timem:s22], [sflag:s7] =	dma.local [hbm:s6], s5  }
0x9e: {  	_ =	swait.ge [sflag:s7], s5  }
0x9f: {  	s5 =	ssub.s32 $0x0, s5;
	[sflag:s7] =	ssyncset.done $0x0  }
0xa0: {  	[sflag:s7] =	ssyncadd.s32 s5;
	_ =	sdelay $0x1  }
0xa1: {  	s23 =	simm.s32 $0x1B8B  }
0xa2: {  	_ =	swait.ge [sflag:s23], $0x1  }
0xa3: {  	[sflag:s23] =	ssyncset.done $0x0  }
0xa4: {  	[sflag:s23] =	ssyncadd.s32 $0xFFFFFFFF  }
0xa5: {  	s5 =	sld [smem:$0x0]  }
0xa6: {  	s6 =	sand.u32 $0xFFFFFFFE, s1  }
0xa7: {  	p0 =	sne.s32 s1, s6  }
0xa8: {  	s6 =	sshll.u32 @p0 s6, $0xE  }
0xa9: {  	s6 =	sadd.s32 @p0 $0x11B8D, s6;
	s7 =	sshll.u32 @p0 s5, $0x11  }
0xaa: {  	s6 =	sor.u32 @p0 s7, s6  }
0xab: {  	[sflag:s6] =	ssyncadd.remote.s32 @p0 $0x1;
	_ =	sdelay $0x1  }
0xac: {  	s6 =	simm.s32 @p0 $0x1B8D  }
0xad: {  	_ =	swait.eq @p0 [sflag:s6], $0x1  }
0xae: {  	[sflag:s6] =	ssyncadd.s32 @p0 $0xFFFFFFFF  }
0xaf: {  	s7 =	sshll.u32 @!p0 s1, $0xE  }
0xb0: {  	s7 =	sor.u32 @!p0 $0x4000, s7;
	s6 =	simm.s32 @!p0 $0x1B8D  }
0xb1: {  	s5 =	sshll.u32 @!p0 s5, $0x11;
	s7 =	sadd.s32 @!p0 $0x11B8D, s7;
	_ =	swait.eq @!p0 [sflag:s6], $0x1  }
0xb2: {  	s5 =	sor.u32 @!p0 s5, s7;
	[sflag:s6] =	ssyncadd.s32 @!p0 $0xFFFFFFFF  }
0xb3: {  	s25 =	simm.s32 $0x1B8E;
	s24 =	sld [smem:$0x3FFE];
	[sflag:s5] =	ssyncadd.remote.s32 @!p0 $0x1  }
0xb4: {  	s26 =	simm.s32 $execute0_lowered;
	[smem:$0x3FD2] =	sst s25  }
0xb5: {  	s6 =	sshll.u32 s26, $0x1;
	_ =	strace $0x80000049;
	[dreg:$0x1] =	wrdreg $0xFFFFFFFF  }
0xb6: {  	s28 =	simm.s32 $_size_execute0_lowered;
	s4 =	sadd.s32 s4, s6;
	[dreg:$0x0] =	wrdreg $0x0  }
0xb7: {  	s6 =	sshll.u32 s28, $0x1;
	[dreg:$0x2] =	wrdreg s4  }
0xb8: {  	[dreg:$0x3] =	wrdreg s6  }
0xb9: {  	[dreg:$0x4] =	wrdreg $0xC0  }
0xba: {  	_ =	task [dreg:s22], $0x5FFFF  }
0xbb: {  	[dreg:$0x1] =	wrdreg $0xFFFFFFFF  }
0xbc: {  	[dreg:$0x0] =	wrdreg $0x60  }
0xbd: {  	[dreg:$0x2] =	wrdreg s18  }
0xbe: {  	[dreg:$0x3] =	wrdreg s24  }
0xbf: {  	[dreg:$0x4] =	wrdreg $0x0  }
0xc0: {  	[dreg:$0x5] =	wrdreg $0x9  }
0xc1: {  	_ =	task.clear_ibuf [dreg:s22], $0x6FFFF;
	_ =	strace $0x90000049  }
0xc2: {  	s29 =	simm.s32 $0x9;
	_ =	strace $0x8000004B  }
0xc3: {  	_ =	swait.ge [sflag:s29], $0x1  }
0xc4: {  	[sflag:s29] =	ssyncadd.s32 $0xFFFFFFFF  }
0xc5: {  	_ =	strace $0x9000004B  }
0xc6: {  	_ =	sfence  }
0xc7: {  	s30 =	sld [smem:$0x0];
	_ =	sdelay $0x2  }
0xc8: {  	s31 =	sshll.u32 s1, $0xD;
	s1 =	sshrl.u32 s1, $0x2  }
0xc9: {  	s4 =	sand.u32 $0x4000, s31;
	s1 =	sadd.s32 s1, s30  }
0xca: {  	s0 =	sor.u32 s4, s0;
	s1 =	sshll.u32 s1, $0x11  }
0xcb: {  	s0 =	sor.u32 s1, s0  }
0xcc: {  	s0 =	sadd.s32 $0x8F2B, s0  }
0xcd: {  	[sflag:s0] =	ssyncadd.remote.s32 $0x1  }
0xce: {  	_ =	sfence.sel $0xFFFF  }
0xcf: {  	[dreg:$0x0] =	wrdreg $0xFFFFFFFF;
	(pc) =	sbr.abs _section_cstart, $3  }
0xd0: {  	[dreg:$0x1] =	wrdreg $0xFFFFFFFF  }
0xd1: {  	_ =	task.clear_ibuf [dreg:s22], $0x2FFFF;
	_ =	strace $0x9FFFFFFF  }
0xd2: {  	(tm) =	ssettm $0x7FFFFFFF  }
0xd3: {  	_ =	shalt  }
tec
execute0_lowered:
.L_overlay_start_1:
0x0: {  	(tag) =	ssettag $0x1  }
0x1: {  	s1 =	rddreg [dreg:$0x0]  }
0x2: {  	s0 =	rddreg [dreg:$0x1]  }
0x3: {  	s22 =	stileid.u32;
	s2 =	srdreg.scid  }
0x4: {  	s3 =	rddreg [dreg:$0x2];
	s4 =	simm.s32 $0x0;
	s16 =	simm.s32 $0x9D  }
0x5: {  	s28 =	simm.s32 $0x139C0;
	s29 =	simm.s32 $0x80;
	s30 =	simm.s32 $0x13940  }
0x6: {  	s31 =	simm.s32 $0x13A40;
	s2 =	sand.u32 $0x1, s2;
	s6 =	smul.u32 $0x270, s22  }
0x7: {  	[smem:$0x7FF] =	sst s4;
	s5 =	sshll.u32 s22, $0x4;
	s7 =	smul.u32 $0x4E000, s22  }
0x8: {  	s10 =	sadd.s32 $0x21400, s0;
	s24 =	sadd.s32 $0x138800, s3;
	s12 =	sadd.s32 $0x12B000, s3  }
0x9: {  	s13 =	sadd.s32 $0x131800, s3;
	s14 =	sadd.s32 $0x138000, s3;
	p0 =	slt.u32 s22, $0x4  }
0xa: {  	s15 =	smul.u32 $0x2710, s2;
	_ =	strace $0x8000004A;
	s20 =	sadd.s32 s5, s0  }
0xb: {  	s5 =	sadd.s32 $0x1FA00, s0;
	s2 =	ssub.s32 $0x2, s2;
	s16 =	simm.s32 @!p0 $0x9C  }
0xc: {  	p0 =	sne.s32 s22, $0xF;
	s7 =	sshrl.u32 s7, $0x2;
	s11 =	sshrl.u32 s2, $0x1  }
0xd: {  	p1 =	sne.s32 @p0 s22, $0x0;
	s22 =	sadd.s32 $0xB400, s20;
	s23 =	sadd.s32 $0x1600, s20  }
0xe: {  	s20 =	stileid.u32;
	s6 =	sadd.s32 s6, s15;
	s2 =	ssub.s32 s2, s11  }
0xf: {  	s11 =	sadd.s32 $0x124800, s3;
	p1 =	por p1, !p0;
	p2 =	seq.s32 s20, $0xF  }
0x10: {  	s8 =	sshll.u32 s6, $0x4;
	s6 =	sadd.s32 s7, s3;
	s26 =	smax.u32 s2, $0x1  }
0x11: {  	s2 =	simm.s32 $0x1;
	s21 =	sadd.s32 s8, s0;
	s7 =	sadd.s32 $0x6800, s6  }
0x12: {  	s8 =	sadd.s32 $0x20700, s0;
	s0 =	sadd.s32 $0x22100, s0;
	[dreg:$0x6] =	wrdreg s26  }
0x13: {  	s9 =	sadd.s32 $0xD000, s6;
	s26 =	simm.s32 $0x2;
	[dreg:$0x4] =	wrdreg s0  }
0x14: {  	s17 =	sadd.s32 $0x22200, s21;
	s18 =	sadd.s32 $0x22F00, s21;
	s25 =	sadd.s32 $0x24900, s21  }
0x15: {  	s19 =	sadd.s32 $0x23C00, s21;
	s0 =	sshrl.u32 @!p1 s24, $0x3;
	[dreg:$0x5] =	wrdreg s25  }
0x16: {  	v0 =	vmov s15;
	[dreg:$0x7] =	wrdreg s0;
	s25 =	simm.s32 $0x138C0;
	s0 =	simm.s32 $0x0  }
.LBB2_1:
0x17: {  	s15 =	sshll.u32 @p0 s20, $0x6  }
0x18: {  	s20 =	sshrl.u32 @p0 s6, $0x3;
	s15 =	sor.u32 @p0 $0x1C02, s15  }
0x19: {  	[spmem:s20], [sflag:s15] =	dma.local @p0 [hbm:s5], $0xD00  }
0x1a: {  	s20 =	simm.s32 @p0 $0x2  }
0x1b: {  	_ =	swait.ge @p0 [sflag:s20], $0xD00  }
0x1c: {  	[sflag:s20] =	ssyncset.done @p0 $0x0  }
0x1d: {  	s21 =	sshrl.u32 @p0 s7, $0x3;
	[sflag:s20] =	ssyncadd.s32 @p0 $0xFFFFF300  }
0x1e: {  	[spmem:s21], [sflag:s15] =	dma.local @p0 [hbm:s8], $0xD00  }
0x1f: {  	_ =	swait.ge @p0 [sflag:s20], $0xD00  }
0x20: {  	[sflag:s20] =	ssyncset.done @p0 $0x0  }
0x21: {  	s21 =	sshrl.u32 @p0 s9, $0x3;
	[sflag:s20] =	ssyncadd.s32 @p0 $0xFFFFF300  }
0x22: {  	[spmem:s21], [sflag:s15] =	dma.local @p0 [hbm:s10], $0xD00  }
0x23: {  	_ =	swait.ge @p0 [sflag:s20], $0xD00  }
0x24: {  	[sflag:s20] =	ssyncset.done @p0 $0x0  }
0x25: {  	s15 =	simm.s32 @!p1 $0x1C02;
	[sflag:s20] =	ssyncadd.s32 @p0 $0xFFFFF300;
	s20 =	rddreg [dreg:$0x7]  }
0x26: {  	[spmem:s20], [sflag:s15] =	dma.local @!p1 [hbm:s5], $0x80  }
0x27: {  	s15 =	simm.s32 @!p1 $0x2  }
0x28: {  	_ =	swait.ge @!p1 [sflag:s15], $0x80  }
0x29: {  	[sflag:s15] =	ssyncset.done @!p1 $0x0  }
0x2a: {  	s20 =	simm.s32 @!p0 $0x1FC2;
	[sflag:s15] =	ssyncadd.s32 @!p1 $0xFFFFFF80;
	s15 =	sshrl.u32 @!p0 s11, $0x3  }
0x2b: {  	[spmem:s15], [sflag:s20] =	dma.local @!p0 [hbm:s5], $0xD00  }
0x2c: {  	s15 =	simm.s32 @!p0 $0x2  }
0x2d: {  	_ =	swait.ge @!p0 [sflag:s15], $0xD00  }
0x2e: {  	[sflag:s15] =	ssyncset.done @!p0 $0x0  }
0x2f: {  	s21 =	sshrl.u32 @!p0 s12, $0x3;
	[sflag:s15] =	ssyncadd.s32 @!p0 $0xFFFFF300  }
0x30: {  	[spmem:s21], [sflag:s20] =	dma.local @!p0 [hbm:s8], $0xD00  }
0x31: {  	_ =	swait.ge @!p0 [sflag:s15], $0xD00  }
0x32: {  	[sflag:s15] =	ssyncset.done @!p0 $0x0  }
0x33: {  	s21 =	sshrl.u32 @!p0 s13, $0x3;
	[sflag:s15] =	ssyncadd.s32 @!p0 $0xFFFFF300  }
0x34: {  	[spmem:s21], [sflag:s20] =	dma.local @!p0 [hbm:s10], $0xD00  }
0x35: {  	_ =	swait.ge @!p0 [sflag:s15], $0xD00  }
0x36: {  	[sflag:s15] =	ssyncset.done @!p0 $0x0  }
0x37: {  	s21 =	sshrl.u32 @!p0 s14, $0x3;
	s24 =	rddreg [dreg:$0x4];
	[sflag:s15] =	ssyncadd.s32 @!p0 $0xFFFFF300  }
0x38: {  	[spmem:s21], [sflag:s20] =	dma.local @!p0 [hbm:s24], $0x100  }
0x39: {  	_ =	swait.ge @!p0 [sflag:s15], $0x100  }
0x3a: {  	[sflag:s15] =	ssyncset.done @!p0 $0x0  }
0x3b: {  	[sflag:s15] =	ssyncadd.s32 @!p0 $0xFFFFFF00  }
0x3c: {  	[bflag:$0x0] =	sbarrier.arrive $0xFFFF  }
0x3d: {  	[tilespmem:s25], [sflag:$0x2] =	stream.linear.gather [hbm4b:s23+s4], $0x80, $0x38;
	[tilespmem:$0x17A40] =	vst v63  }
0x3e: {  	_ =	swait.ge [sflag:s26], $0x80  }
0x3f: {  	[sflag:s26] =	ssyncset.done $0x0  }
0x40: {  	[sflag:s26] =	ssyncadd.s32 $0xFFFFFF80  }
0x41: {  	[tilespmem:s28], [sflag:$0x2] =	stream.linear.gather [hbm4b:s22+s4], $0x80, $0x38;
	[tilespmem:$0x17A40] =	vst v63  }
0x42: {  	_ =	swait.ge [sflag:s26], $0x80  }
0x43: {  	[sflag:s26] =	ssyncset.done $0x0  }
0x44: {  	[sflag:s26] =	ssyncadd.s32 $0xFFFFFF80  }
0x45: {  	v1 =	vld [tilespmem:$0x13930]  }
0x46: {  	v2 =	vld [tilespmem:$0x13920]  }
0x47: {  	v3 =	vld [tilespmem:$0x13910]  }
0x48: {  	v4 =	vld [tilespmem:$0x138F0]  }
0x49: {  	v5 =	vld [tilespmem:$0x138E0]  }
0x4a: {  	v6 =	vld [tilespmem:$0x138D0];
	v1 =	vadd.s32 v0, v1  }
0x4b: {  	v7 =	vld [tilespmem:$0x13900];
	v2 =	vadd.s32 v0, v2;
	[tilespmem:$0x139B0] =	vst v1  }
0x4c: {  	v3 =	vadd.s32 v0, v3;
	v1 =	vld [tilespmem:$0x138C0];
	[tilespmem:$0x139A0] =	vst v2  }
0x4d: {  	p3 =	sne.s32 s16, $0x1;
	v2 =	vadd.s32 v0, v4;
	[tilespmem:$0x13990] =	vst v3  }
.Ltmp0:
0x4e: {  	v3 =	vadd.s32 v0, v5;
	[tilespmem:$0x13970] =	vst v2;
	(pc) =	sbr.rel @!p3 .LBB2_3-.Ltmp0, $4  }
0x4f: {  	v2 =	vadd.s32 v0, v6;
	[tilespmem:$0x13960] =	vst v3  }
0x50: {  	[tilespmem:$0x13950] =	vst v2;
	v2 =	vadd.s32 v0, v7  }
0x51: {  	[tilespmem:$0x13980] =	vst v2;
	v1 =	vadd.s32 v0, v1  }
0x52: {  	s20 =	sadd.s32 $0x100, s22;
	s21 =	sadd.s32 $0x100, s23;
	s15 =	sadd.s32 $0xFFFFFFFF, s16;
	[tilespmem:$0x13940] =	vst v1  }
.LBB2_2:
0x53: {  	[tilespmem:s31], [sflag:$0x1] =	stream.indirect.gather [hbm4b:s1+s29], $0x80, s30, s29, $0xb8;
	[tilespmem:$0x17A40] =	vst v63  }
0x54: {  	p3 =	sne.s32 s15, $0x1;
	s15 =	sadd.s32 $0xFFFFFFFF, s15;
	_ =	swait.ge [sflag:s2], $0x4000  }
0x55: {  	[sflag:s2] =	ssyncset.done $0x0  }
0x56: {  	[sflag:s2] =	ssyncadd.s32 $0xFFFFC000  }
0x57: {  	[spmem:s3] =	stream.indirect.scatter.add.f32 [tilespmem:s31], [sflag:$0x2], $0x80, s28, s29, $0xb8;
	[tilespmem:$0x17A40] =	vst v63  }
0x58: {  	_ =	swait.ge [sflag:s26], $0x4000  }
0x59: {  	[sflag:s26] =	ssyncset.done $0x0  }
0x5a: {  	[sflag:s26] =	ssyncadd.s32 $0xFFFFC000  }
0x5b: {  	[tilespmem:s25], [sflag:$0x2] =	stream.linear.gather [hbm4b:s21+s4], $0x80, $0x38;
	[tilespmem:$0x17A40] =	vst v63  }
0x5c: {  	_ =	swait.ge [sflag:s26], $0x80  }
0x5d: {  	[sflag:s26] =	ssyncset.done $0x0  }
0x5e: {  	[sflag:s26] =	ssyncadd.s32 $0xFFFFFF80  }
0x5f: {  	[tilespmem:s28], [sflag:$0x2] =	stream.linear.gather [hbm4b:s20+s4], $0x80, $0x38;
	[tilespmem:$0x17A40] =	vst v63  }
0x60: {  	_ =	swait.ge [sflag:s26], $0x80  }
0x61: {  	[sflag:s26] =	ssyncset.done $0x0  }
0x62: {  	[sflag:s26] =	ssyncadd.s32 $0xFFFFFF80  }
0x63: {  	v1 =	vld [tilespmem:$0x13930]  }
0x64: {  	v2 =	vld [tilespmem:$0x13920]  }
0x65: {  	v3 =	vld [tilespmem:$0x13910]  }
0x66: {  	v4 =	vld [tilespmem:$0x138F0]  }
0x67: {  	v5 =	vld [tilespmem:$0x138E0]  }
0x68: {  	v6 =	vld [tilespmem:$0x138D0];
	v1 =	vadd.s32 v0, v1  }
0x69: {  	v7 =	vld [tilespmem:$0x13900];
	v2 =	vadd.s32 v0, v2;
	[tilespmem:$0x139B0] =	vst v1  }
0x6a: {  	v1 =	vld [tilespmem:$0x138C0];
	v3 =	vadd.s32 v0, v3;
	[tilespmem:$0x139A0] =	vst v2  }
0x6b: {  	v2 =	vadd.s32 v0, v4;
	[tilespmem:$0x13990] =	vst v3  }
.Ltmp1:
0x6c: {  	v3 =	vadd.s32 v0, v5;
	[tilespmem:$0x13970] =	vst v2;
	(pc) =	sbr.rel @p3 .LBB2_2-.Ltmp1, $4  }
0x6d: {  	v2 =	vadd.s32 v0, v6;
	[tilespmem:$0x13960] =	vst v3  }
0x6e: {  	[tilespmem:$0x13950] =	vst v2;
	v2 =	vadd.s32 v0, v7  }
0x6f: {  	v1 =	vadd.s32 v0, v1;
	[tilespmem:$0x13980] =	vst v2  }
0x70: {  	s21 =	sadd.s32 $0x100, s21;
	s20 =	sadd.s32 $0x100, s20;
	[tilespmem:$0x13940] =	vst v1  }
.LBB2_3:
0x71: {  	[tilespmem:s31], [sflag:$0x1] =	stream.indirect.gather [hbm4b:s1+s29], $0x80, s30, s29, $0xb8;
	[tilespmem:$0x17A40] =	vst v63  }
0x72: {  	_ =	swait.ge [sflag:s2], $0x4000  }
0x73: {  	[sflag:s2] =	ssyncset.done $0x0  }
0x74: {  	[sflag:s2] =	ssyncadd.s32 $0xFFFFC000  }
0x75: {  	[spmem:s3] =	stream.indirect.scatter.add.f32 [tilespmem:s31], [sflag:$0x2], $0x80, s28, s29, $0xb8;
	[tilespmem:$0x17A40] =	vst v63  }
0x76: {  	_ =	swait.ge [sflag:s26], $0x4000  }
0x77: {  	[sflag:s26] =	ssyncset.done $0x0  }
0x78: {  	[sflag:s26] =	ssyncadd.s32 $0xFFFFC000  }
0x79: {  	s15 =	sshrl.u32 @p2 s11, $0x3;
	s20 =	simm.s32 @p2 $0x1FC2;
	[bflag:$0x0] =	sbarrier.arrive $0xFFFF  }
0x7a: {  	[hbm:s17], [sflag:s20] =	dma.local @p2 [spmem:s15], $0xD00  }
0x7b: {  	s15 =	simm.s32 @p2 $0x2  }
0x7c: {  	_ =	swait.ge @p2 [sflag:s15], $0xD00  }
0x7d: {  	[sflag:s15] =	ssyncset.done @p2 $0x0  }
0x7e: {  	s21 =	sshrl.u32 @p2 s12, $0x3;
	[sflag:s15] =	ssyncadd.s32 @p2 $0xFFFFF300  }
0x7f: {  	[hbm:s18], [sflag:s20] =	dma.local @p2 [spmem:s21], $0xD00  }
0x80: {  	_ =	swait.ge @p2 [sflag:s15], $0xD00  }
0x81: {  	[sflag:s15] =	ssyncset.done @p2 $0x0  }
0x82: {  	s21 =	sshrl.u32 @p2 s13, $0x3;
	[sflag:s15] =	ssyncadd.s32 @p2 $0xFFFFF300  }
0x83: {  	[hbm:s19], [sflag:s20] =	dma.local @p2 [spmem:s21], $0xD00  }
0x84: {  	_ =	swait.ge @p2 [sflag:s15], $0xD00  }
0x85: {  	[sflag:s15] =	ssyncset.done @p2 $0x0  }
0x86: {  	s21 =	sshrl.u32 @p2 s14, $0x3;
	s24 =	rddreg [dreg:$0x5];
	[sflag:s15] =	ssyncadd.s32 @p2 $0xFFFFF300  }
0x87: {  	[hbm:s24], [sflag:s20] =	dma.local @p2 [spmem:s21], $0x100  }
0x88: {  	s20 =	stileid.u32;
	_ =	swait.ge @p2 [sflag:s15], $0x100  }
0x89: {  	s20 =	sshll.u32 @!p2 s20, $0x6;
	[sflag:s15] =	ssyncset.done @p2 $0x0  }
0x8a: {  	[sflag:s15] =	ssyncadd.s32 @p2 $0xFFFFFF00;
	s15 =	sor.u32 @!p2 $0x1C02, s20;
	s20 =	sshrl.u32 @!p2 s6, $0x3  }
0x8b: {  	[hbm:s17], [sflag:s15] =	dma.local @!p2 [spmem:s20], $0xD00  }
0x8c: {  	s20 =	simm.s32 @!p2 $0x2  }
0x8d: {  	_ =	swait.ge @!p2 [sflag:s20], $0xD00  }
0x8e: {  	[sflag:s20] =	ssyncset.done @!p2 $0x0  }
0x8f: {  	s21 =	sshrl.u32 @!p2 s7, $0x3;
	[sflag:s20] =	ssyncadd.s32 @!p2 $0xFFFFF300  }
0x90: {  	[hbm:s18], [sflag:s15] =	dma.local @!p2 [spmem:s21], $0xD00  }
0x91: {  	_ =	swait.ge @!p2 [sflag:s20], $0xD00  }
0x92: {  	[sflag:s20] =	ssyncset.done @!p2 $0x0  }
0x93: {  	s21 =	sshrl.u32 @!p2 s9, $0x3;
	[sflag:s20] =	ssyncadd.s32 @!p2 $0xFFFFF300  }
0x94: {  	[hbm:s19], [sflag:s15] =	dma.local @!p2 [spmem:s21], $0xD00  }
0x95: {  	_ =	swait.ge @!p2 [sflag:s20], $0xD00  }
0x96: {  	s0 =	sadd.s32 $0x1, s0;
	s24 =	rddreg [dreg:$0x6]  }
0x97: {  	p3 =	sne.s32 s0, s24  }
.Ltmp2:
0x98: {  	_ = 	snop;
	(pc) =	sbr.rel @p3 .LBB2_1-.Ltmp2, $3  }
0x99: {  	_ =	sdelay $0x1  }
0x9a: {  	[sflag:s20] =	ssyncset.done @!p2 $0x0  }
0x9b: {  	[sflag:s20] =	ssyncadd.s32 @!p2 $0xFFFFF300;
	s20 =	stileid.u32  }
0x9c: {  	_ =	sfence.sel $0x180000  }
0x9d: {  	[bflag:$0x0] =	sbarrier.arrive $0xFFFF  }
0x9e: {  	_ =	strace $0x9000004A  }
0x9f: {  	[bflag:$0x2] =	sbarrier.arrive $0xFFFF  }
0xa0: {  	p0 =	sne.s32 s20, $0x0;
	s0 =	rddreg [dreg:$0x3]  }
0xa1: {  	s0 =	sadd.s32 @!p0 $0x100000, s0  }
0xa2: {  	[sflag:s0] =	ssyncadd.tile.s32 @!p0 $0x1;
	_ =	shalt  }
.Lfunc_end2:
_tile_overlayer_lowered:
.L_overlay_start_2:
0xa3: {  	(tag) =	ssettag $0x2  }
0xa4: {  	s0 =	rddreg [dreg:$0x0];
	s2 =	stileid.u32  }
0xa5: {  	s1 =	rddreg [dreg:$0x1];
	p0 =	sne.s32 s2, $0x0  }
0xa6: {  	s3 =	rddreg [dreg:$0x2];
	[bflag:$0x3] =	sbarrier.arrive $0xFFFF;
	s2 =	simm.s32 @!p0 $0x1C02  }
0xa7: {  	[timem:s3], [sflag:s2] =	dma.local @!p0 [hbm:s0], s1  }
0xa8: {  	s0 =	simm.s32 @!p0 $0x2  }
0xa9: {  	_ =	swait.ge @!p0 [sflag:s0], s1  }
0xaa: {  	s1 =	ssub.s32 @!p0 $0x0, s1;
	[sflag:s0] =	ssyncset.done @!p0 $0x0  }
0xab: {  	[sflag:s0] =	ssyncadd.s32 @!p0 s1  }
0xac: {  	[bflag:$0x3] =	sbarrier.arrive $0xFFFF  }
0xad: {  	_ =	shalt  }

// kernel: kernel.8.cloned.1.call-start
scs
__scs_entry_jumppad:
0x0: {  	(pc) =	sbr.rel $0x88, $3  }
0x1: {  	(tag) =	ssettag $0x0;
	lr =	simm.s32 $0x1  }
0x2: {  	[smem:$0x3F9C] =	sst lr;
	_ =	strace $0xD0000000  }
0x3: {  	_ = 	snop  }
0x4: {  	_ = 	snop  }
0x5: {  	_ = 	snop  }
0x6: {  	_ = 	snop  }
0x7: {  	_ = 	snop  }
__scs_overlays_trampoline_lowered:
0x8: {  	[smem:$0x3FAB] =	sst s0  }
0x9: {  	[smem:$0x3FAC] =	sst s1  }
0xa: {  	[smem:$0x3FAD] =	sst s2  }
0xb: {  	[smem:$0x3FAE] =	sst s3  }
0xc: {  	[smem:$0x3FAF] =	sst s4  }
0xd: {  	[smem:$0x3FB0] =	sst s5  }
0xe: {  	[smem:$0x3FB1] =	sst s6  }
0xf: {  	[smem:$0x3FB2] =	sst s7  }
0x10: {  	[smem:$0x3FB3] =	sst s8  }
0x11: {  	[smem:$0x3FB4] =	sst s9;
	s0 =	simm.s32 @!p0 $0x0  }
0x12: {  	s1 =	sld [smem:$0x3F9A];
	s0 =	simm.s32 @p0 $0x1  }
0x13: {  	[smem:$0x3FB5] =	sst s0;
	s0 =	simm.s32 @!p1 $0x0  }
0x14: {  	s2 =	sld [smem:$0x3F99];
	s0 =	simm.s32 @p1 $0x1  }
0x15: {  	[smem:$0x3FB6] =	sst s0;
	s0 =	simm.s32 @!p2 $0x0  }
0x16: {  	s3 =	sld [smem:$0x3FDB];
	s0 =	simm.s32 @p2 $0x1  }
0x17: {  	s4 =	simm.s32 $0x1BF5;
	[smem:$0x3FB8] =	sst s0  }
0x18: {  	s0 =	sld [smem:$0x3F9B];
	_ =	swait.ge [sflag:s4], $0x0  }
0x19: {  	s7 =	sld [smem:$0x3F9C]  }
0x1a: {  	s8 =	sadd.s32 $0xFFFFE003, lr  }
0x1b: {  	s9 =	sadd.s32 $0xFFFFFEF7, lr;
	s5 =	simm.s32 $0xFFFFFFFF;
	p2 =	slt.u32 s8, $0xFFFFF086  }
0x1c: {  	p1 =	slt.u32 s9, $0xF7A;
	s5 =	simm.s32 @!p2 $0x0  }
0x1d: {  	s5 =	simm.s32 @p1 $0x1;
	p0 =	seq.s32 s7, s2  }
0x1e: {  	s7 =	smul.u32 @!p0 $0xF7A, s2;
	p2 =	seq.s32 @!p0 s5, $0x0  }
0x1f: {  	s9 =	smul.u32 $0xF7A, s1;
	s8 =	simm.s32 @!p0 $0x1BF5;
	p2 =	por !p2, p0  }
0x20: {  	[sflag:s8] =	ssyncset.s32 @!p0 $0xFFFFF086;
	s6 =	sadd.s32 @!p0 s3, s7;
	s7 =	simm.s32 @!p0 $0x108  }
0x21: {  	s3 =	sadd.s32 s3, s9;
	s6 =	sadd.s32 @!p0 $0x88, s6;
	s7 =	simm.s32 @p2 $0x1082  }
0x22: {  	[simem:s7], [sflag:s8] =	dma.local @!p0 [hbm:s6], $0xF7A  }
0x23: {  	s9 =	sor.u32 $0xD0000000, s2;
	s6 =	simm.s32 $0x108;
	_ =	swait.ge @!p0 [sflag:s8], $0x0  }
0x24: {  	s3 =	sadd.s32 $0x88, s3;
	s6 =	simm.s32 @!p1 $0x1082;
	[sflag:s4] =	ssyncset.s32 $0xFFFFF086  }
0x25: {  	[simem:s6], [sflag:s4] =	dma.local [hbm:s3], $0xF7A  }
0x26: {  	[smem:$0x3F9C] =	sst s1;
	(tag) =	ssettag s2;
	_ =	strace s9  }
0x27: {  	s1 =	sld [smem:$0x3FAC]  }
0x28: {  	s2 =	sld [smem:$0x3FAD]  }
0x29: {  	s4 =	sld [smem:$0x3FAF]  }
0x2a: {  	p0 =	seq.s32 s5, $0x0;
	s5 =	sld [smem:$0x3FB0]  }
0x2b: {  	s6 =	sld [smem:$0x3FB1]  }
0x2c: {  	s7 =	sld [smem:$0x3FB2]  }
0x2d: {  	s3 =	simm.s32 $0x108;
	s8 =	sld [smem:$0x3FB3]  }
0x2e: {  	s3 =	simm.s32 @!p0 $0x1082;
	s9 =	sld [smem:$0x3FB4]  }
0x2f: {  	lr =	sadd.s32 s0, s3;
	s0 =	sld [smem:$0x3FAB]  }
0x30: {  	s3 =	sld [smem:$0x3FAE]  }
0x31: {  	[smem:$0x3FB7] =	sst s10  }
0x32: {  	s10 =	sld [smem:$0x3FB5];
	_ =	sdelay $0x3  }
0x33: {  	p0 =	seq.s32 s10, $0x1;
	s10 =	sld [smem:$0x3FB7];
	_ =	sdelay $0x3  }
0x34: {  	[smem:$0x3FB7] =	sst s10  }
0x35: {  	s10 =	sld [smem:$0x3FB6];
	_ =	sdelay $0x3  }
0x36: {  	p1 =	seq.s32 s10, $0x1;
	s10 =	sld [smem:$0x3FB7];
	_ =	sdelay $0x3  }
0x37: {  	[smem:$0x3FB7] =	sst s10  }
0x38: {  	s10 =	sld [smem:$0x3FB8]  }
0x39: {  	_ = 	snop;
	(pc) =	sbr.ind lr, $3  }
0x3a: {  	_ = 	snop  }
0x3b: {  	_ = 	snop  }
0x3c: {  	p2 =	seq.s32 s10, $0x1;
	s10 =	sld [smem:$0x3FB7]  }
0x3d: {  	_ =	shalt  }
0x3e: {  	_ =	shalt  }
0x3f: {  	_ =	shalt  }
0x40: {  	_ =	shalt  }
0x41: {  	_ =	shalt  }
0x42: {  	_ =	shalt  }
0x43: {  	_ =	shalt  }
0x44: {  	_ =	shalt  }
0x45: {  	_ =	shalt  }
0x46: {  	_ =	shalt  }
0x47: {  	_ =	shalt  }
0x48: {  	_ =	shalt  }
0x49: {  	_ =	shalt  }
0x4a: {  	_ =	shalt  }
0x4b: {  	_ =	shalt  }
0x4c: {  	_ =	shalt  }
0x4d: {  	_ =	shalt  }
0x4e: {  	_ =	shalt  }
0x4f: {  	_ =	shalt  }
0x50: {  	_ =	shalt  }
0x51: {  	_ =	shalt  }
0x52: {  	_ =	shalt  }
0x53: {  	_ =	shalt  }
0x54: {  	_ =	shalt  }
0x55: {  	_ =	shalt  }
0x56: {  	_ =	shalt  }
0x57: {  	_ =	shalt  }
0x58: {  	_ =	shalt  }
0x59: {  	_ =	shalt  }
0x5a: {  	_ =	shalt  }
0x5b: {  	_ =	shalt  }
0x5c: {  	_ =	shalt  }
0x5d: {  	_ =	shalt  }
0x5e: {  	_ =	shalt  }
0x5f: {  	_ =	shalt  }
0x60: {  	_ =	shalt  }
0x61: {  	_ =	shalt  }
0x62: {  	_ =	shalt  }
0x63: {  	_ =	shalt  }
0x64: {  	_ =	shalt  }
0x65: {  	_ =	shalt  }
0x66: {  	_ =	shalt  }
0x67: {  	_ =	shalt  }
0x68: {  	_ =	shalt  }
0x69: {  	_ =	shalt  }
0x6a: {  	_ =	shalt  }
0x6b: {  	_ =	shalt  }
0x6c: {  	_ =	shalt  }
0x6d: {  	_ =	shalt  }
0x6e: {  	_ =	shalt  }
0x6f: {  	_ =	shalt  }
0x70: {  	_ =	shalt  }
0x71: {  	_ =	shalt  }
0x72: {  	_ =	shalt  }
0x73: {  	_ =	shalt  }
0x74: {  	_ =	shalt  }
0x75: {  	_ =	shalt  }
0x76: {  	_ =	shalt  }
0x77: {  	_ =	shalt  }
0x78: {  	_ =	shalt  }
0x79: {  	_ =	shalt  }
0x7a: {  	_ =	shalt  }
0x7b: {  	_ =	shalt  }
0x7c: {  	_ =	shalt  }
0x7d: {  	_ =	shalt  }
0x7e: {  	_ =	shalt  }
0x7f: {  	_ =	shalt  }
0x80: {  	_ =	shalt  }
0x81: {  	_ =	shalt  }
0x82: {  	_ =	shalt  }
0x83: {  	_ =	shalt  }
0x84: {  	_ =	shalt  }
0x85: {  	_ =	shalt  }
0x86: {  	_ =	shalt  }
0x87: {  	_ =	shalt  }
.Lfunc_end0:
.L_simem_size_0:
called_computation.1_lowered:
.L_overlay_start_0:
0x88: {  	s2 =	sld [smem:$0x3FD9]  }
0x89: {  	s3 =	sld [smem:$0x3FFE];
	_ =	sdelay $0x1  }
0x8a: {  	s1 =	srdreg.scid  }
0x8b: {  	s0 =	sand.u32 $0x1, s1  }
0x8c: {  	s17 =	sshll.u32 s0, $0xA;
	s2 =	sadd.s32 s3, s2  }
0x8d: {  	s2 =	sadd.s32 s2, s17  }
0x8e: {  	[smem:$0x3FC3] =	sst s2  }
0x8f: {  	_ = 	snop  }
0x90: {  	s2 =	sld [smem:$0x3FD0];
	(tm) =	ssettm $0x1  }
0x91: {  	s18 =	sld [smem:$0x3FFB];
	_ =	sdelay $0x3  }
0x92: {  	_ =	strace s18  }
0x93: {  	s3 =	sld [smem:$0x3FFC];
	_ =	sdelay $0x3  }
0x94: {  	_ =	strace s3  }
0x95: {  	s3 =	sld [smem:$0x3FFD];
	_ =	sdelay $0x3  }
0x96: {  	_ =	strace s3  }
0x97: {  	_ =	strace $0x8FFFFFFF  }
0x98: {  	s19 =	sld [smem:$0x3FDB];
	_ =	sdelay $0x1  }
0x99: {  	s4 =	simm.s32 $_scs_section_size  }
0x9a: {  	s5 =	simm.s32 $_size__tile_overlayer_lowered;
	s6 =	simm.s32 $_tile_overlayer_lowered  }
0x9b: {  	s22 =	simm.s32 $0x1BFF;
	s21 =	sshll.u32 s6, $0x1;
	s3 =	sadd.s32 s4, s19  }
0x9c: {  	s7 =	simm.s32 $0x0;
	s20 =	sshll.u32 s5, $0x1;
	s5 =	sadd.s32 s21, s3  }
0x9d: {  	[timem:s7], [sflag:s22] =	dma.local [hbm:s5], s20  }
0x9e: {  	_ =	swait.ge [sflag:s22], s20  }
0x9f: {  	s4 =	ssub.s32 $0x0, s20;
	[sflag:s22] =	ssyncset.done $0x0  }
0xa0: {  	[sflag:s22] =	ssyncadd.s32 s4;
	_ =	sdelay $0x1  }
0xa1: {  	s23 =	simm.s32 $0x1B8B  }
0xa2: {  	_ =	swait.ge [sflag:s23], $0x1  }
0xa3: {  	[sflag:s23] =	ssyncset.done $0x0  }
0xa4: {  	s25 =	simm.s32 $0x1B8E;
	s24 =	sld [smem:$0x3FFE];
	[sflag:s23] =	ssyncadd.s32 $0xFFFFFFFF  }
0xa5: {  	s26 =	simm.s32 $execute0_lowered;
	[smem:$0x3FD2] =	sst s25  }
0xa6: {  	s5 =	sshll.u32 s26, $0x1;
	_ =	strace $0x80000046;
	[dreg:$0x1] =	wrdreg $0xFFFFFFFF  }
0xa7: {  	s28 =	simm.s32 $_size_execute0_lowered;
	s3 =	sadd.s32 s3, s5;
	[dreg:$0x0] =	wrdreg $0x0  }
0xa8: {  	s5 =	sshll.u32 s28, $0x1;
	[dreg:$0x2] =	wrdreg s3  }
0xa9: {  	[dreg:$0x3] =	wrdreg s5  }
0xaa: {  	[dreg:$0x4] =	wrdreg $0xC0  }
0xab: {  	_ =	task [dreg:s7], $0x5FFFF  }
0xac: {  	[dreg:$0x1] =	wrdreg $0xFFFFFFFF  }
0xad: {  	[dreg:$0x0] =	wrdreg $0x60  }
0xae: {  	[dreg:$0x2] =	wrdreg s24  }
0xaf: {  	[dreg:$0x3] =	wrdreg s2  }
0xb0: {  	[dreg:$0x4] =	wrdreg $0x0  }
0xb1: {  	[dreg:$0x5] =	wrdreg $0xA  }
0xb2: {  	_ =	task.clear_ibuf [dreg:s7], $0x6FFFF;
	_ =	strace $0x90000046  }
0xb3: {  	s29 =	simm.s32 $0xA;
	_ =	strace $0x80000048  }
0xb4: {  	_ =	swait.ge [sflag:s29], $0x1  }
0xb5: {  	[sflag:s29] =	ssyncadd.s32 $0xFFFFFFFF  }
0xb6: {  	_ =	strace $0x90000048  }
0xb7: {  	_ =	sfence  }
0xb8: {  	s30 =	sld [smem:$0x0];
	_ =	sdelay $0x2  }
0xb9: {  	s31 =	sshll.u32 s1, $0xD;
	s1 =	sshrl.u32 s1, $0x2  }
0xba: {  	s3 =	sand.u32 $0x4000, s31;
	s1 =	sadd.s32 s1, s30  }
0xbb: {  	s0 =	sor.u32 s3, s0;
	s1 =	sshll.u32 s1, $0x11  }
0xbc: {  	s0 =	sor.u32 s1, s0  }
0xbd: {  	s0 =	sadd.s32 $0x8F2B, s0  }
0xbe: {  	[sflag:s0] =	ssyncadd.remote.s32 $0x1  }
0xbf: {  	_ =	sfence.sel $0xFFFF  }
0xc0: {  	[dreg:$0x0] =	wrdreg $0xFFFFFFFF;
	(pc) =	sbr.abs _section_cstart, $3  }
0xc1: {  	[dreg:$0x1] =	wrdreg $0xFFFFFFFF  }
0xc2: {  	_ =	task.clear_ibuf [dreg:s7], $0x2FFFF;
	_ =	strace $0x9FFFFFFF  }
0xc3: {  	(tm) =	ssettm $0x7FFFFFFF  }
tec
execute0_lowered:
.L_overlay_start_1:
0x0: {  	(tag) =	ssettag $0x1  }
0x1: {  	s0 =	rddreg [dreg:$0x0]  }
0x2: {  	s3 =	rddreg [dreg:$0x1]  }
0x3: {  	s1 =	rddreg [dreg:$0x2]  }
0x4: {  	s2 =	simm.s32 $0x0;
	s4 =	srdreg.scid;
	s26 =	stileid.u32  }
0x5: {  	s29 =	simm.s32 $0x2;
	s30 =	simm.s32 $0x138C0;
	s31 =	simm.s32 $0x80  }
0x6: {  	[smem:$0x7FF] =	sst s2;
	s4 =	sand.u32 $0x1, s4;
	s6 =	sadd.s32 $0x15200, s0  }
0x7: {  	s8 =	smul.u32 $0x4E000, s26;
	s5 =	sadd.s32 $0x1F200, s0;
	s18 =	sadd.s32 $0x138800, s1  }
0x8: {  	s16 =	smul.u32 $0x270, s26;
	s10 =	sadd.s32 $0x124800, s1;
	s11 =	sadd.s32 $0x21400, s0  }
0x9: {  	s12 =	sadd.s32 $0x12B000, s1;
	s13 =	sadd.s32 $0x131800, s1;
	s14 =	sadd.s32 $0x138000, s1  }
0xa: {  	s23 =	smul.u32 $0x50, s26;
	p0 =	sne.s32 s26, $0xF;
	p2 =	seq.s32 s26, $0xF  }
0xb: {  	_ =	strace $0x80000047;
	s7 =	ssub.s32 $0x2, s4;
	[dreg:$0x4] =	wrdreg s5  }
0xc: {  	s5 =	sadd.s32 $0x1FA00, s0;
	s20 =	sshll.u32 s4, $0x4;
	s19 =	smul.u32 $0x2710, s4  }
0xd: {  	s4 =	smul.u32 $0x500, s4;
	p1 =	sne.s32 @p0 s26, $0x0;
	s9 =	sshrl.u32 s7, $0x1  }
0xe: {  	s8 =	sshrl.u32 s8, $0x2;
	s17 =	sor.u32 s26, s20;
	p1 =	por p1, !p0  }
0xf: {  	s15 =	ssub.s32 s7, s9;
	s28 =	sadd.s32 s8, s1;
	s8 =	sadd.s32 $0x20700, s0  }
0x10: {  	s17 =	smul.u32 $0x500, s17;
	s16 =	sadd.s32 s16, s19;
	s0 =	sadd.s32 $0x22100, s0  }
0x11: {  	s7 =	sadd.s32 $0x6800, s28;
	s9 =	sadd.s32 $0xD000, s28;
	[dreg:$0x5] =	wrdreg s0  }
0x12: {  	s21 =	sshll.u32 s16, $0x4;
	s0 =	sadd.s32 s23, s4;
	s16 =	smov.u32 s28  }
0x13: {  	s4 =	simm.s32 $0x0;
	s22 =	sadd.s32 s6, s17;
	s17 =	sadd.s32 s3, s21  }
0x14: {  	s0 =	sshll.u32 s0, $0x4;
	s3 =	sshll.u32 @p0 s26, $0x6;
	s26 =	sshrl.u32 @p0 s28, $0x3  }
0x15: {  	s28 =	simm.s32 $0x139C0;
	[dreg:$0x6] =	wrdreg s22;
	s24 =	sadd.s32 $0x10, s22  }
0x16: {  	s19 =	sadd.s32 $0xD00, s17;
	s20 =	sadd.s32 $0x1A00, s17;
	s25 =	sadd.s32 $0x2700, s17  }
0x17: {  	s22 =	smax.u32 s15, $0x1;
	s0 =	sadd.s32 s0, s6;
	[dreg:$0x7] =	wrdreg s24  }
0x18: {  	[dreg:$0x8] =	wrdreg s25;
	s23 =	sadd.s32 $0x20, s0;
	s24 =	sor.u32 @p0 $0x1C02, s3  }
0x19: {  	s25 =	sshrl.u32 @!p1 s18, $0x3;
	s0 =	simm.s32 $0x13940;
	s3 =	simm.s32 $0x1  }
.LBB2_1:
0x1a: {  	[spmem:s26], [sflag:s24] =	dma.local @p0 [hbm:s5], $0xD00  }
0x1b: {  	s6 =	simm.s32 @p0 $0x2  }
0x1c: {  	_ =	swait.ge @p0 [sflag:s6], $0xD00  }
0x1d: {  	[sflag:s6] =	ssyncset.done @p0 $0x0  }
0x1e: {  	s15 =	sshrl.u32 @p0 s7, $0x3;
	[sflag:s6] =	ssyncadd.s32 @p0 $0xFFFFF300  }
0x1f: {  	[spmem:s15], [sflag:s24] =	dma.local @p0 [hbm:s8], $0xD00  }
0x20: {  	_ =	swait.ge @p0 [sflag:s6], $0xD00  }
0x21: {  	[sflag:s6] =	ssyncset.done @p0 $0x0  }
0x22: {  	s15 =	sshrl.u32 @p0 s9, $0x3;
	[sflag:s6] =	ssyncadd.s32 @p0 $0xFFFFF300  }
0x23: {  	[spmem:s15], [sflag:s24] =	dma.local @p0 [hbm:s11], $0xD00  }
0x24: {  	_ =	swait.ge @p0 [sflag:s6], $0xD00  }
0x25: {  	[sflag:s6] =	ssyncset.done @p0 $0x0  }
0x26: {  	[sflag:s6] =	ssyncadd.s32 @p0 $0xFFFFF300;
	s6 =	simm.s32 @!p1 $0x1C02  }
0x27: {  	[spmem:s25], [sflag:s6] =	dma.local @!p1 [hbm:s5], $0x80  }
0x28: {  	s6 =	simm.s32 @!p1 $0x2  }
0x29: {  	_ =	swait.ge @!p1 [sflag:s6], $0x80  }
0x2a: {  	[sflag:s6] =	ssyncset.done @!p1 $0x0  }
0x2b: {  	s15 =	simm.s32 @!p0 $0x1FC2;
	[sflag:s6] =	ssyncadd.s32 @!p1 $0xFFFFFF80;
	s6 =	sshrl.u32 @!p0 s10, $0x3  }
0x2c: {  	[spmem:s6], [sflag:s15] =	dma.local @!p0 [hbm:s5], $0xD00  }
0x2d: {  	s6 =	simm.s32 @!p0 $0x2  }
0x2e: {  	_ =	swait.ge @!p0 [sflag:s6], $0xD00  }
0x2f: {  	[sflag:s6] =	ssyncset.done @!p0 $0x0  }
0x30: {  	s18 =	sshrl.u32 @!p0 s12, $0x3;
	[sflag:s6] =	ssyncadd.s32 @!p0 $0xFFFFF300  }
0x31: {  	[spmem:s18], [sflag:s15] =	dma.local @!p0 [hbm:s8], $0xD00  }
0x32: {  	_ =	swait.ge @!p0 [sflag:s6], $0xD00  }
0x33: {  	[sflag:s6] =	ssyncset.done @!p0 $0x0  }
0x34: {  	s18 =	sshrl.u32 @!p0 s13, $0x3;
	[sflag:s6] =	ssyncadd.s32 @!p0 $0xFFFFF300  }
0x35: {  	[spmem:s18], [sflag:s15] =	dma.local @!p0 [hbm:s11], $0xD00  }
0x36: {  	_ =	swait.ge @!p0 [sflag:s6], $0xD00  }
0x37: {  	[sflag:s6] =	ssyncset.done @!p0 $0x0  }
0x38: {  	s18 =	sshrl.u32 @!p0 s14, $0x3;
	s21 =	rddreg [dreg:$0x5];
	[sflag:s6] =	ssyncadd.s32 @!p0 $0xFFFFF300  }
0x39: {  	[spmem:s18], [sflag:s15] =	dma.local @!p0 [hbm:s21], $0x100  }
0x3a: {  	_ =	swait.ge @!p0 [sflag:s6], $0x100  }
0x3b: {  	[sflag:s6] =	ssyncset.done @!p0 $0x0  }
0x3c: {  	s21 =	rddreg [dreg:$0x4];
	[sflag:s6] =	ssyncadd.s32 @!p0 $0xFFFFFF00  }
0x3d: {  	[tilespmem:s28], [sflag:$0x2] =	stream.linear.gather [hbm4b:s21+s2], $0x4000, $0x38;
	[tilespmem:$0x179C0] =	vst v63  }
0x3e: {  	_ =	swait.ge [sflag:s29], $0x4000  }
0x3f: {  	[sflag:s29] =	ssyncset.done $0x0  }
0x40: {  	[sflag:s29] =	ssyncadd.s32 $0xFFFFC000  }
0x41: {  	[bflag:$0x0] =	sbarrier.arrive $0xFFFF  }
0x42: {  	s15 =	rddreg [dreg:$0x6]  }
0x43: {  	[tilespmem:s30], [sflag:$0x2] =	stream.linear.gather [hbm4b:s15+s2], $0x80, $0x38;
	[tilespmem:$0x179C0] =	vst v63  }
0x44: {  	_ =	swait.ge [sflag:s29], $0x80  }
0x45: {  	[sflag:s29] =	ssyncset.done $0x0  }
0x46: {  	[sflag:s29] =	ssyncadd.s32 $0xFFFFFF80  }
0x47: {  	[spmem:s1] =	stream.indirect.scatter.add.f32 [tilespmem:s28], [sflag:$0x1], $0x80, s30, s31, $0xb8;
	[tilespmem:$0x179C0] =	vst v63  }
0x48: {  	s18 =	rddreg [dreg:$0x7]  }
0x49: {  	[tilespmem:s0], [sflag:$0x2] =	stream.linear.gather [hbm4b:s18+s2], $0x80, $0x38;
	[tilespmem:$0x179C0] =	vst v63  }
0x4a: {  	_ =	swait.ge [sflag:s29], $0x80  }
0x4b: {  	[sflag:s29] =	ssyncset.done $0x0  }
0x4c: {  	[sflag:s29] =	ssyncadd.s32 $0xFFFFFF80  }
0x4d: {  	[spmem:s1] =	stream.indirect.scatter.add.f32 [tilespmem:s28], [sflag:$0x1], $0x80, s0, s31, $0xb8;
	[tilespmem:$0x179C0] =	vst v63  }
0x4e: {  	s21 =	sand.u32 $0x200, s2;
	_ =	swait.ge [sflag:s3], $0x4000  }
0x4f: {  	s6 =	sshrl.u32 s21, $0x2;
	[sflag:s3] =	ssyncset.done $0x0  }
0x50: {  	s18 =	sadd.s32 $0x138C0, s6;
	[sflag:s3] =	ssyncadd.s32 $0xFFFFC000  }
0x51: {  	[tilespmem:s18], [sflag:$0x2] =	stream.linear.gather [hbm4b:s23+s2], $0x80, $0x38;
	[tilespmem:$0x179C0] =	vst v63  }
0x52: {  	_ =	swait.ge [sflag:s29], $0x80  }
0x53: {  	[sflag:s29] =	ssyncset.done $0x0  }
0x54: {  	s15 =	simm.s32 $0x200;
	s6 =	sadd.s32 $0x10, s23;
	[sflag:s29] =	ssyncadd.s32 $0xFFFFFF80  }
.LBB2_2:
0x55: {  	[spmem:s1] =	stream.indirect.scatter.add.f32 [tilespmem:s28], [sflag:$0x1], $0x80, s18, s31, $0xb8;
	[tilespmem:$0x179C0] =	vst v63  }
0x56: {  	s18 =	sand.u32 $0x200, s15;
	p3 =	sne.s32 s15, $0x9A00;
	_ =	swait.ge [sflag:s3], $0x4000  }
0x57: {  	s15 =	sadd.s32 $0x200, s15;
	s18 =	sshrl.u32 s18, $0x2;
	[sflag:s3] =	ssyncset.done $0x0  }
.Ltmp0:
0x58: {  	s18 =	sadd.s32 $0x138C0, s18;
	[sflag:s3] =	ssyncadd.s32 $0xFFFFC000;
	(pc) =	sbr.rel @p3 .LBB2_2-.Ltmp0, $4  }
0x59: {  	[tilespmem:s18], [sflag:$0x2] =	stream.linear.gather [hbm4b:s6+s2], $0x80, $0x38;
	[tilespmem:$0x179C0] =	vst v63  }
0x5a: {  	_ =	swait.ge [sflag:s29], $0x80  }
0x5b: {  	[sflag:s29] =	ssyncset.done $0x0  }
0x5c: {  	s6 =	sadd.s32 $0x10, s6;
	[sflag:s29] =	ssyncadd.s32 $0xFFFFFF80  }
0x5d: {  	[spmem:s1] =	stream.indirect.scatter.add.f32 [tilespmem:s28], [sflag:$0x1], $0x80, s18, s31, $0xb8;
	[tilespmem:$0x179C0] =	vst v63  }
0x5e: {  	_ =	swait.ge [sflag:s3], $0x4000  }
0x5f: {  	[sflag:s3] =	ssyncset.done $0x0  }
0x60: {  	[sflag:s3] =	ssyncadd.s32 $0xFFFFC000  }
0x61: {  	_ =	swait.ge [sflag:s3], $0x4000  }
0x62: {  	[sflag:s3] =	ssyncset.done $0x0  }
0x63: {  	[sflag:s3] =	ssyncadd.s32 $0xFFFFC000  }
0x64: {  	s6 =	sshrl.u32 @p2 s10, $0x3;
	s15 =	simm.s32 @p2 $0x1FC2;
	[bflag:$0x0] =	sbarrier.arrive $0xFFFF  }
0x65: {  	[hbm:s17], [sflag:s15] =	dma.local @p2 [spmem:s6], $0xD00  }
0x66: {  	s6 =	simm.s32 @p2 $0x2  }
0x67: {  	_ =	swait.ge @p2 [sflag:s6], $0xD00  }
0x68: {  	[sflag:s6] =	ssyncset.done @p2 $0x0  }
0x69: {  	s18 =	sshrl.u32 @p2 s12, $0x3;
	[sflag:s6] =	ssyncadd.s32 @p2 $0xFFFFF300  }
0x6a: {  	[hbm:s19], [sflag:s15] =	dma.local @p2 [spmem:s18], $0xD00  }
0x6b: {  	_ =	swait.ge @p2 [sflag:s6], $0xD00  }
0x6c: {  	[sflag:s6] =	ssyncset.done @p2 $0x0  }
0x6d: {  	s18 =	sshrl.u32 @p2 s13, $0x3;
	[sflag:s6] =	ssyncadd.s32 @p2 $0xFFFFF300  }
0x6e: {  	[hbm:s20], [sflag:s15] =	dma.local @p2 [spmem:s18], $0xD00  }
0x6f: {  	_ =	swait.ge @p2 [sflag:s6], $0xD00  }
0x70: {  	[sflag:s6] =	ssyncset.done @p2 $0x0  }
0x71: {  	s18 =	sshrl.u32 @p2 s14, $0x3;
	s21 =	rddreg [dreg:$0x8];
	[sflag:s6] =	ssyncadd.s32 @p2 $0xFFFFF300  }
0x72: {  	[hbm:s21], [sflag:s15] =	dma.local @p2 [spmem:s18], $0x100  }
0x73: {  	s15 =	stileid.u32;
	_ =	swait.ge @p2 [sflag:s6], $0x100  }
0x74: {  	s15 =	sshll.u32 @!p2 s15, $0x6;
	[sflag:s6] =	ssyncset.done @p2 $0x0  }
0x75: {  	[sflag:s6] =	ssyncadd.s32 @p2 $0xFFFFFF00;
	s6 =	sor.u32 @!p2 $0x1C02, s15;
	s15 =	sshrl.u32 @!p2 s16, $0x3  }
0x76: {  	[hbm:s17], [sflag:s6] =	dma.local @!p2 [spmem:s15], $0xD00  }
0x77: {  	s15 =	simm.s32 @!p2 $0x2  }
0x78: {  	_ =	swait.ge @!p2 [sflag:s15], $0xD00  }
0x79: {  	[sflag:s15] =	ssyncset.done @!p2 $0x0  }
0x7a: {  	s18 =	sshrl.u32 @!p2 s7, $0x3;
	[sflag:s15] =	ssyncadd.s32 @!p2 $0xFFFFF300  }
0x7b: {  	[hbm:s19], [sflag:s6] =	dma.local @!p2 [spmem:s18], $0xD00  }
0x7c: {  	s4 =	sadd.s32 $0x1, s4;
	_ =	swait.ge @!p2 [sflag:s15], $0xD00  }
0x7d: {  	p3 =	sne.s32 s4, s22;
	[sflag:s15] =	ssyncset.done @!p2 $0x0  }
.Ltmp1:
0x7e: {  	s18 =	sshrl.u32 @!p2 s9, $0x3;
	[sflag:s15] =	ssyncadd.s32 @!p2 $0xFFFFF300;
	(pc) =	sbr.rel @p3 .LBB2_1-.Ltmp1, $4  }
0x7f: {  	[hbm:s20], [sflag:s6] =	dma.local @!p2 [spmem:s18], $0xD00  }
0x80: {  	_ =	swait.ge @!p2 [sflag:s15], $0xD00  }
0x81: {  	[sflag:s15] =	ssyncset.done @!p2 $0x0  }
0x82: {  	[sflag:s15] =	ssyncadd.s32 @!p2 $0xFFFFF300  }
0x83: {  	_ =	sfence.sel $0x180000  }
0x84: {  	[bflag:$0x0] =	sbarrier.arrive $0xFFFF  }
0x85: {  	_ =	strace $0x90000047  }
0x86: {  	s0 =	stileid.u32;
	[bflag:$0x2] =	sbarrier.arrive $0xFFFF  }
0x87: {  	p0 =	sne.s32 s0, $0x0;
	s0 =	rddreg [dreg:$0x3]  }
0x88: {  	s0 =	sadd.s32 @!p0 $0x100000, s0  }
0x89: {  	[sflag:s0] =	ssyncadd.tile.s32 @!p0 $0x1;
	_ =	shalt  }
.Lfunc_end2:
_tile_overlayer_lowered:
.L_overlay_start_2:
0x8a: {  	(tag) =	ssettag $0x2  }
0x8b: {  	s0 =	rddreg [dreg:$0x0];
	s2 =	stileid.u32  }
0x8c: {  	s1 =	rddreg [dreg:$0x1];
	p0 =	sne.s32 s2, $0x0  }
0x8d: {  	s3 =	rddreg [dreg:$0x2];
	[bflag:$0x3] =	sbarrier.arrive $0xFFFF;
	s2 =	simm.s32 @!p0 $0x1C02  }
0x8e: {  	[timem:s3], [sflag:s2] =	dma.local @!p0 [hbm:s0], s1  }
0x8f: {  	s0 =	simm.s32 @!p0 $0x2  }
0x90: {  	_ =	swait.ge @!p0 [sflag:s0], s1  }
0x91: {  	s1 =	ssub.s32 @!p0 $0x0, s1;
	[sflag:s0] =	ssyncset.done @!p0 $0x0  }
0x92: {  	[sflag:s0] =	ssyncadd.s32 @!p0 s1  }
0x93: {  	[bflag:$0x3] =	sbarrier.arrive $0xFFFF  }
0x94: {  	_ =	shalt  }

</sc_bundles>
